<compile_context>
chip_gen: v7x
topology: tpu7x:2x2x1
jax: 0.10.2.dev20260603
libtpu: 0.0.44.dev20260713+nightly
codegen_flags: <defaults>
</compile_context>

<pallas_src>
import jax
import jax.numpy as jnp
from jax import lax
from jax.experimental import pallas as pl
from jax.experimental.pallas import tpu as pltpu
from jax.experimental.pallas import tpu_sc as plsc

BATCH = 16384
EMB = 32
NC = 2
NS = 16
L = 16
NW = NC * NS
BPW = BATCH // NW


def _scores_body(ueT_hbm, inT_hbm, pos_hbm, neg_hbm,
                 u_v, i_v, n_v, accp_v, accn_v, sem):
    wid = lax.axis_index("s") * NC + lax.axis_index("c")
    base = wid * BPW
    cols = pl.ds(base, BPW)

    cp_u = pltpu.async_copy(ueT_hbm.at[:, cols], u_v, sem)
    cp_i = pltpu.async_copy(inT_hbm.at[:, cols], i_v, sem)
    cp_n = pltpu.async_copy(inT_hbm.at[:, pl.ds(BATCH + base, BPW)], n_v, sem)
    cp_u.wait()
    cp_i.wait()
    cp_n.wait()

    def chunk_body(c, carry):
        s = pl.ds(c * L, L)
        accp = jnp.zeros((L,), jnp.float32)
        accn = jnp.zeros((L,), jnp.float32)
        for d in range(EMB):
            uv = u_v[d, s]
            accp = accp + uv * i_v[d, s]
            accn = accn + uv * n_v[d, s]
        accp_v[s] = accp
        accn_v[s] = accn
        return carry

    lax.fori_loop(0, BPW // L, chunk_body, 0)

    pltpu.sync_copy(accp_v, pos_hbm.at[cols])
    pltpu.sync_copy(accn_v, neg_hbm.at[cols])


def kernel(user, item, neg_item, user_table, item_table):
    user_emb = user_table.at[user].get(mode="promise_in_bounds")
    itng_emb = item_table.at[jnp.concatenate([item, neg_item])].get(
        mode="promise_in_bounds")

    mesh = plsc.VectorSubcoreMesh(core_axis_name="c", subcore_axis_name="s")
    fn = pl.kernel(
        _scores_body,
        out_type=(jax.ShapeDtypeStruct((BATCH,), jnp.float32),
                  jax.ShapeDtypeStruct((BATCH,), jnp.float32)),
        mesh=mesh,
        compiler_params=pltpu.CompilerParams(needs_layout_passes=False),
        scratch_types=[
            pltpu.VMEM((EMB, BPW), jnp.float32),
            pltpu.VMEM((EMB, BPW), jnp.float32),
            pltpu.VMEM((EMB, BPW), jnp.float32),
            pltpu.VMEM((BPW,), jnp.float32),
            pltpu.VMEM((BPW,), jnp.float32),
            pltpu.SemaphoreType.DMA,
        ],
    )
    pos, neg = fn(user_emb.T, itng_emb.T)
    return pos, neg

# --- scband reference (transcript-rebuilt; emitter-appended) ---
"""Pipeline reference for scband-light-gcn-54116587929642 (READ-ONLY COPY).

The authoritative reference and input builder live on the scoring server;
editing this copy changes nothing except your own understanding.
"""

import jax, jax.numpy as jnp
import numpy as np

N_USERS = 1000000
N_ITEMS = 1000000
EMB = 32
BATCH = 16384

def setup_inputs(seed: int = 0) -> dict:
    key = jax.random.key(seed)
    k1, k2, k3, k4, k5 = jax.random.split(key, 5)
    user = jax.random.randint(k1, (BATCH,), 0, N_USERS, dtype=jnp.int64) if jax.config.jax_enable_x64 else jax.random.randint(k1, (BATCH,), 0, N_USERS, dtype=jnp.int32)
    item = jax.random.randint(k2, (BATCH,), 0, N_ITEMS, dtype=user.dtype)
    neg_item = jax.random.randint(k3, (BATCH,), 0, N_ITEMS, dtype=user.dtype)
    user_table = jax.random.normal(k4, (N_USERS, EMB), dtype=jnp.float32) * 0.1
    item_table = jax.random.normal(k5, (N_ITEMS, EMB), dtype=jnp.float32) * 0.1
    return {"user": user, "item": item, "neg_item": neg_item, "user_table": user_table, "item_table": item_table}

def reference(user, item, neg_item, user_table, item_table):
    # computer(): graph is None at construction, so propagation is skipped
    # and raw embedding tables are returned (LightGCN fallback path).
    all_users = user_table
    all_items = item_table
    # forward(user, item, neg_item)
    user_emb = jnp.take(all_users, user, axis=0)
    item_emb = jnp.take(all_items, item, axis=0)
    neg_item_emb = jnp.take(all_items, neg_item, axis=0)
    pos_scores = jnp.sum(user_emb * item_emb, axis=1)
    neg_scores = jnp.sum(user_emb * neg_item_emb, axis=1)
    return (pos_scores, neg_scores)

if __name__ == "__main__":
    import jax
    _d = setup_inputs()
    print(jax.jit(kernel)(*tuple(_d.values())))

</pallas_src>

<mosaic_0001>
#map = affine_map<(d0, d1) -> (0, 0)>
#map1 = affine_map<(d0, d1) -> (0)>
module attributes {stable_mosaic.version = 14 : i64} {
  func.func @_scores_body(%arg0: i32, %arg1: i32, %arg2: memref<32x16384xf32, #tpu.memory_space<hbm>>, %arg3: memref<32x32768xf32, #tpu.memory_space<hbm>>, %arg4: memref<16384xf32, #tpu.memory_space<hbm>>, %arg5: memref<16384xf32, #tpu.memory_space<hbm>>, %arg6: memref<32x512xf32, #tpu.memory_space<vmem>>, %arg7: memref<32x512xf32, #tpu.memory_space<vmem>>, %arg8: memref<32x512xf32, #tpu.memory_space<vmem>>, %arg9: memref<512xf32, #tpu.memory_space<vmem>>, %arg10: memref<512xf32, #tpu.memory_space<vmem>>, %arg11: memref<!tpu.dma_semaphore, #tpu.memory_space<semaphore_mem>>) attributes {dimension_semantics = [#tpu.dimension_semantics<core_parallel>, #tpu.dimension_semantics<subcore_parallel>], iteration_bounds = array<i64: 2, 16>, scalar_prefetch = 0 : i64, scratch_operands = 6 : i64, tpu.core_type = #tpu.core_type<sc_vector_subcore>, window_params = [{transform_indices = #map}, {transform_indices = #map}, {transform_indices = #map1}, {transform_indices = #map1}]} {
    %mul3A = arith.constant 2 : i32
    %mul3A_0 = arith.muli %arg1, %mul3A : i32
    %add3A = arith.addi %mul3A_0, %arg0 : i32
    %mul3A_1 = arith.constant 512 : i32
    %mul3A_2 = arith.muli %add3A, %mul3A_1 : i32
    %dma_start3A = arith.constant 0 : i32
    %dma_start3A_3 = tpu.memref_slice %arg2[%dma_start3A, %mul3A_2] : memref<32x16384xf32, #tpu.memory_space<hbm>> -> memref<32x512xf32, #tpu.memory_space<hbm>>
    %dma_start3A_4 = arith.constant 0 : i32
    %dma_start3A_5 = tpu.memref_slice %arg2[%dma_start3A_4, %mul3A_2] : memref<32x16384xf32, #tpu.memory_space<hbm>> -> memref<32x512xf32, #tpu.memory_space<hbm>>
    tpu.enqueue_dma source(%dma_start3A_5 : memref<32x512xf32, #tpu.memory_space<hbm>>) target(%arg6 : memref<32x512xf32, #tpu.memory_space<vmem>>) target_semaphore(%arg11 : memref<!tpu.dma_semaphore, #tpu.memory_space<semaphore_mem>>)
    %dma_start3A_6 = arith.constant 0 : i32
    %dma_start3A_7 = tpu.memref_slice %arg3[%dma_start3A_6, %mul3A_2] : memref<32x32768xf32, #tpu.memory_space<hbm>> -> memref<32x512xf32, #tpu.memory_space<hbm>>
    %dma_start3A_8 = arith.constant 0 : i32
    %dma_start3A_9 = tpu.memref_slice %arg3[%dma_start3A_8, %mul3A_2] : memref<32x32768xf32, #tpu.memory_space<hbm>> -> memref<32x512xf32, #tpu.memory_space<hbm>>
    tpu.enqueue_dma source(%dma_start3A_9 : memref<32x512xf32, #tpu.memory_space<hbm>>) target(%arg7 : memref<32x512xf32, #tpu.memory_space<vmem>>) target_semaphore(%arg11 : memref<!tpu.dma_semaphore, #tpu.memory_space<semaphore_mem>>)
    %add3A_10 = arith.constant 16384 : i32
    %add3A_11 = arith.addi %add3A_10, %mul3A_2 : i32
    %dma_start3A_12 = arith.constant 0 : i32
    %dma_start3A_13 = tpu.memref_slice %arg3[%dma_start3A_12, %add3A_11] : memref<32x32768xf32, #tpu.memory_space<hbm>> -> memref<32x512xf32, #tpu.memory_space<hbm>>
    %dma_start3A_14 = arith.constant 0 : i32
    %dma_start3A_15 = tpu.memref_slice %arg3[%dma_start3A_14, %add3A_11] : memref<32x32768xf32, #tpu.memory_space<hbm>> -> memref<32x512xf32, #tpu.memory_space<hbm>>
    tpu.enqueue_dma source(%dma_start3A_15 : memref<32x512xf32, #tpu.memory_space<hbm>>) target(%arg8 : memref<32x512xf32, #tpu.memory_space<vmem>>) target_semaphore(%arg11 : memref<!tpu.dma_semaphore, #tpu.memory_space<semaphore_mem>>)
    %dma_wait3A = arith.constant 0 : i32
    %dma_wait3A_16 = tpu.memref_slice %arg2[%dma_wait3A, %mul3A_2] : memref<32x16384xf32, #tpu.memory_space<hbm>> -> memref<32x512xf32, #tpu.memory_space<hbm>>
    %dma_wait3A_17 = arith.constant 0 : i32
    %dma_wait3A_18 = tpu.memref_slice %arg2[%dma_wait3A_17, %mul3A_2] : memref<32x16384xf32, #tpu.memory_space<hbm>> -> memref<32x512xf32, #tpu.memory_space<hbm>>
    tpu.wait_dma2 semaphore(%arg11 : memref<!tpu.dma_semaphore, #tpu.memory_space<semaphore_mem>>) src(%dma_wait3A_18 : memref<32x512xf32, #tpu.memory_space<hbm>>) dst(%arg6 : memref<32x512xf32, #tpu.memory_space<vmem>>)
    %dma_wait3A_19 = arith.constant 0 : i32
    %dma_wait3A_20 = tpu.memref_slice %arg3[%dma_wait3A_19, %mul3A_2] : memref<32x32768xf32, #tpu.memory_space<hbm>> -> memref<32x512xf32, #tpu.memory_space<hbm>>
    %dma_wait3A_21 = arith.constant 0 : i32
    %dma_wait3A_22 = tpu.memref_slice %arg3[%dma_wait3A_21, %mul3A_2] : memref<32x32768xf32, #tpu.memory_space<hbm>> -> memref<32x512xf32, #tpu.memory_space<hbm>>
    tpu.wait_dma2 semaphore(%arg11 : memref<!tpu.dma_semaphore, #tpu.memory_space<semaphore_mem>>) src(%dma_wait3A_22 : memref<32x512xf32, #tpu.memory_space<hbm>>) dst(%arg7 : memref<32x512xf32, #tpu.memory_space<vmem>>)
    %dma_wait3A_23 = arith.constant 0 : i32
    %dma_wait3A_24 = tpu.memref_slice %arg3[%dma_wait3A_23, %add3A_11] : memref<32x32768xf32, #tpu.memory_space<hbm>> -> memref<32x512xf32, #tpu.memory_space<hbm>>
    %dma_wait3A_25 = arith.constant 0 : i32
    %dma_wait3A_26 = tpu.memref_slice %arg3[%dma_wait3A_25, %add3A_11] : memref<32x32768xf32, #tpu.memory_space<hbm>> -> memref<32x512xf32, #tpu.memory_space<hbm>>
    tpu.wait_dma2 semaphore(%arg11 : memref<!tpu.dma_semaphore, #tpu.memory_space<semaphore_mem>>) src(%dma_wait3A_26 : memref<32x512xf32, #tpu.memory_space<hbm>>) dst(%arg8 : memref<32x512xf32, #tpu.memory_space<vmem>>)
    %scan3A = arith.constant 0 : i32
    %scan3A_27 = arith.constant 0 : i32
    %scan3A_28 = arith.constant 32 : i32
    %scan3A_29 = arith.addi %scan3A_27, %scan3A_28 : i32
    %scan3A_30 = arith.constant 1 : i32
    scf.for %scan3A_32 = %scan3A_27 to %scan3A_29 step %scan3A_30  : i32 {
      %mul3A_33 = arith.constant 16 : i32
      %mul3A_34 = arith.muli %scan3A_32, %mul3A_33 : i32
      %broadcast_in_dim3A = arith.constant 0.000000e+00 : f32
      %broadcast_in_dim3A_35 = vector.broadcast %broadcast_in_dim3A : f32 to vector<16xf32>
      %broadcast_in_dim3A_36 = arith.constant 0.000000e+00 : f32
      %broadcast_in_dim3A_37 = vector.broadcast %broadcast_in_dim3A_36 : f32 to vector<16xf32>
      %get3A = arith.constant 0 : i32
      %get3A_38 = arith.index_cast %get3A : i32 to index
      %get3A_39 = arith.index_cast %mul3A_34 : i32 to index
      %get3A_40 = tpu.vector_load %arg6[%get3A_38, %get3A_39] {strides = array<i32>} : memref<32x512xf32, #tpu.memory_space<vmem>>, vector<16xf32>,
      %get3A_41 = arith.constant 0 : i32
      %get3A_42 = arith.index_cast %get3A_41 : i32 to index
      %get3A_43 = arith.index_cast %mul3A_34 : i32 to index
      %get3A_44 = tpu.vector_load %arg7[%get3A_42, %get3A_43] {strides = array<i32>} : memref<32x512xf32, #tpu.memory_space<vmem>>, vector<16xf32>,
      %mul3A_45 = arith.mulf %get3A_40, %get3A_44 : vector<16xf32>
      %add3A_46 = arith.addf %broadcast_in_dim3A_35, %mul3A_45 : vector<16xf32>
      %get3A_47 = arith.constant 0 : i32
      %get3A_48 = arith.index_cast %get3A_47 : i32 to index
      %get3A_49 = arith.index_cast %mul3A_34 : i32 to index
      %get3A_50 = tpu.vector_load %arg8[%get3A_48, %get3A_49] {strides = array<i32>} : memref<32x512xf32, #tpu.memory_space<vmem>>, vector<16xf32>,
      %mul3A_51 = arith.mulf %get3A_40, %get3A_50 : vector<16xf32>
      %add3A_52 = arith.addf %broadcast_in_dim3A_37, %mul3A_51 : vector<16xf32>
      %get3A_53 = arith.constant 1 : i32
      %get3A_54 = arith.index_cast %get3A_53 : i32 to index
      %get3A_55 = arith.index_cast %mul3A_34 : i32 to index
      %get3A_56 = tpu.vector_load %arg6[%get3A_54, %get3A_55] {strides = array<i32>} : memref<32x512xf32, #tpu.memory_space<vmem>>, vector<16xf32>,
      %get3A_57 = arith.constant 1 : i32
      %get3A_58 = arith.index_cast %get3A_57 : i32 to index
      %get3A_59 = arith.index_cast %mul3A_34 : i32 to index
      %get3A_60 = tpu.vector_load %arg7[%get3A_58, %get3A_59] {strides = array<i32>} : memref<32x512xf32, #tpu.memory_space<vmem>>, vector<16xf32>,
      %mul3A_61 = arith.mulf %get3A_56, %get3A_60 : vector<16xf32>
      %add3A_62 = arith.addf %add3A_46, %mul3A_61 : vector<16xf32>
      %get3A_63 = arith.constant 1 : i32
      %get3A_64 = arith.index_cast %get3A_63 : i32 to index
      %get3A_65 = arith.index_cast %mul3A_34 : i32 to index
      %get3A_66 = tpu.vector_load %arg8[%get3A_64, %get3A_65] {strides = array<i32>} : memref<32x512xf32, #tpu.memory_space<vmem>>, vector<16xf32>,
      %mul3A_67 = arith.mulf %get3A_56, %get3A_66 : vector<16xf32>
      %add3A_68 = arith.addf %add3A_52, %mul3A_67 : vector<16xf32>
      %get3A_69 = arith.constant 2 : i32
      %get3A_70 = arith.index_cast %get3A_69 : i32 to index
      %get3A_71 = arith.index_cast %mul3A_34 : i32 to index
      %get3A_72 = tpu.vector_load %arg6[%get3A_70, %get3A_71] {strides = array<i32>} : memref<32x512xf32, #tpu.memory_space<vmem>>, vector<16xf32>,
      %get3A_73 = arith.constant 2 : i32
      %get3A_74 = arith.index_cast %get3A_73 : i32 to index
      %get3A_75 = arith.index_cast %mul3A_34 : i32 to index
      %get3A_76 = tpu.vector_load %arg7[%get3A_74, %get3A_75] {strides = array<i32>} : memref<32x512xf32, #tpu.memory_space<vmem>>, vector<16xf32>,
      %mul3A_77 = arith.mulf %get3A_72, %get3A_76 : vector<16xf32>
      %add3A_78 = arith.addf %add3A_62, %mul3A_77 : vector<16xf32>
      %get3A_79 = arith.constant 2 : i32
      %get3A_80 = arith.index_cast %get3A_79 : i32 to index
      %get3A_81 = arith.index_cast %mul3A_34 : i32 to index
      %get3A_82 = tpu.vector_load %arg8[%get3A_80, %get3A_81] {strides = array<i32>} : memref<32x512xf32, #tpu.memory_space<vmem>>, vector<16xf32>,
      %mul3A_83 = arith.mulf %get3A_72, %get3A_82 : vector<16xf32>
      %add3A_84 = arith.addf %add3A_68, %mul3A_83 : vector<16xf32>
      %get3A_85 = arith.constant 3 : i32
      %get3A_86 = arith.index_cast %get3A_85 : i32 to index
      %get3A_87 = arith.index_cast %mul3A_34 : i32 to index
      %get3A_88 = tpu.vector_load %arg6[%get3A_86, %get3A_87] {strides = array<i32>} : memref<32x512xf32, #tpu.memory_space<vmem>>, vector<16xf32>,
      %get3A_89 = arith.constant 3 : i32
      %get3A_90 = arith.index_cast %get3A_89 : i32 to index
      %get3A_91 = arith.index_cast %mul3A_34 : i32 to index
      %get3A_92 = tpu.vector_load %arg7[%get3A_90, %get3A_91] {strides = array<i32>} : memref<32x512xf32, #tpu.memory_space<vmem>>, vector<16xf32>,
      %mul3A_93 = arith.mulf %get3A_88, %get3A_92 : vector<16xf32>
      %add3A_94 = arith.addf %add3A_78, %mul3A_93 : vector<16xf32>
      %get3A_95 = arith.constant 3 : i32
      %get3A_96 = arith.index_cast %get3A_95 : i32 to index
      %get3A_97 = arith.index_cast %mul3A_34 : i32 to index
      %get3A_98 = tpu.vector_load %arg8[%get3A_96, %get3A_97] {strides = array<i32>} : memref<32x512xf32, #tpu.memory_space<vmem>>, vector<16xf32>,
      %mul3A_99 = arith.mulf %get3A_88, %get3A_98 : vector<16xf32>
      %add3A_100 = arith.addf %add3A_84, %mul3A_99 : vector<16xf32>
      %get3A_101 = arith.constant 4 : i32
      %get3A_102 = arith.index_cast %get3A_101 : i32 to index
      %get3A_103 = arith.index_cast %mul3A_34 : i32 to index
      %get3A_104 = tpu.vector_load %arg6[%get3A_102, %get3A_103] {strides = array<i32>} : memref<32x512xf32, #tpu.memory_space<vmem>>, vector<16xf32>,
      %get3A_105 = arith.constant 4 : i32
      %get3A_106 = arith.index_cast %get3A_105 : i32 to index
      %get3A_107 = arith.index_cast %mul3A_34 : i32 to index
      %get3A_108 = tpu.vector_load %arg7[%get3A_106, %get3A_107] {strides = array<i32>} : memref<32x512xf32, #tpu.memory_space<vmem>>, vector<16xf32>,
      %mul3A_109 = arith.mulf %get3A_104, %get3A_108 : vector<16xf32>
      %add3A_110 = arith.addf %add3A_94, %mul3A_109 : vector<16xf32>
      %get3A_111 = arith.constant 4 : i32
      %get3A_112 = arith.index_cast %get3A_111 : i32 to index
      %get3A_113 = arith.index_cast %mul3A_34 : i32 to index
      %get3A_114 = tpu.vector_load %arg8[%get3A_112, %get3A_113] {strides = array<i32>} : memref<32x512xf32, #tpu.memory_space<vmem>>, vector<16xf32>,
      %mul3A_115 = arith.mulf %get3A_104, %get3A_114 : vector<16xf32>
      %add3A_116 = arith.addf %add3A_100, %mul3A_115 : vector<16xf32>
      %get3A_117 = arith.constant 5 : i32
      %get3A_118 = arith.index_cast %get3A_117 : i32 to index
      %get3A_119 = arith.index_cast %mul3A_34 : i32 to index
      %get3A_120 = tpu.vector_load %arg6[%get3A_118, %get3A_119] {strides = array<i32>} : memref<32x512xf32, #tpu.memory_space<vmem>>, vector<16xf32>,
      %get3A_121 = arith.constant 5 : i32
      %get3A_122 = arith.index_cast %get3A_121 : i32 to index
      %get3A_123 = arith.index_cast %mul3A_34 : i32 to index
      %get3A_124 = tpu.vector_load %arg7[%get3A_122, %get3A_123] {strides = array<i32>} : memref<32x512xf32, #tpu.memory_space<vmem>>, vector<16xf32>,
      %mul3A_125 = arith.mulf %get3A_120, %get3A_124 : vector<16xf32>
      %add3A_126 = arith.addf %add3A_110, %mul3A_125 : vector<16xf32>
      %get3A_127 = arith.constant 5 : i32
      %get3A_128 = arith.index_cast %get3A_127 : i32 to index
      %get3A_129 = arith.index_cast %mul3A_34 : i32 to index
      %get3A_130 = tpu.vector_load %arg8[%get3A_128, %get3A_129] {strides = array<i32>} : memref<32x512xf32, #tpu.memory_space<vmem>>, vector<16xf32>,
      %mul3A_131 = arith.mulf %get3A_120, %get3A_130 : vector<16xf32>
      %add3A_132 = arith.addf %add3A_116, %mul3A_131 : vector<16xf32>
      %get3A_133 = arith.constant 6 : i32
      %get3A_134 = arith.index_cast %get3A_133 : i32 to index
      %get3A_135 = arith.index_cast %mul3A_34 : i32 to index
      %get3A_136 = tpu.vector_load %arg6[%get3A_134, %get3A_135] {strides = array<i32>} : memref<32x512xf32, #tpu.memory_space<vmem>>, vector<16xf32>,
      %get3A_137 = arith.constant 6 : i32
      %get3A_138 = arith.index_cast %get3A_137 : i32 to index
      %get3A_139 = arith.index_cast %mul3A_34 : i32 to index
      %get3A_140 = tpu.vector_load %arg7[%get3A_138, %get3A_139] {strides = array<i32>} : memref<32x512xf32, #tpu.memory_space<vmem>>, vector<16xf32>,
      %mul3A_141 = arith.mulf %get3A_136, %get3A_140 : vector<16xf32>
      %add3A_142 = arith.addf %add3A_126, %mul3A_141 : vector<16xf32>
      %get3A_143 = arith.constant 6 : i32
      %get3A_144 = arith.index_cast %get3A_143 : i32 to index
      %get3A_145 = arith.index_cast %mul3A_34 : i32 to index
      %get3A_146 = tpu.vector_load %arg8[%get3A_144, %get3A_145] {strides = array<i32>} : memref<32x512xf32, #tpu.memory_space<vmem>>, vector<16xf32>,
      %mul3A_147 = arith.mulf %get3A_136, %get3A_146 : vector<16xf32>
      %add3A_148 = arith.addf %add3A_132, %mul3A_147 : vector<16xf32>
      %get3A_149 = arith.constant 7 : i32
      %get3A_150 = arith.index_cast %get3A_149 : i32 to index
      %get3A_151 = arith.index_cast %mul3A_34 : i32 to index
      %get3A_152 = tpu.vector_load %arg6[%get3A_150, %get3A_151] {strides = array<i32>} : memref<32x512xf32, #tpu.memory_space<vmem>>, vector<16xf32>,
      %get3A_153 = arith.constant 7 : i32
      %get3A_154 = arith.index_cast %get3A_153 : i32 to index
      %get3A_155 = arith.index_cast %mul3A_34 : i32 to index
      %get3A_156 = tpu.vector_load %arg7[%get3A_154, %get3A_155] {strides = array<i32>} : memref<32x512xf32, #tpu.memory_space<vmem>>, vector<16xf32>,
      %mul3A_157 = arith.mulf %get3A_152, %get3A_156 : vector<16xf32>
      %add3A_158 = arith.addf %add3A_142, %mul3A_157 : vector<16xf32>
      %get3A_159 = arith.constant 7 : i32
      %get3A_160 = arith.index_cast %get3A_159 : i32 to index
      %get3A_161 = arith.index_cast %mul3A_34 : i32 to index
      %get3A_162 = tpu.vector_load %arg8[%get3A_160, %get3A_161] {strides = array<i32>} : memref<32x512xf32, #tpu.memory_space<vmem>>, vector<16xf32>,
      %mul3A_163 = arith.mulf %get3A_152, %get3A_162 : vector<16xf32>
      %add3A_164 = arith.addf %add3A_148, %mul3A_163 : vector<16xf32>
      %get3A_165 = arith.constant 8 : i32
      %get3A_166 = arith.index_cast %get3A_165 : i32 to index
      %get3A_167 = arith.index_cast %mul3A_34 : i32 to index
      %get3A_168 = tpu.vector_load %arg6[%get3A_166, %get3A_167] {strides = array<i32>} : memref<32x512xf32, #tpu.memory_space<vmem>>, vector<16xf32>,
      %get3A_169 = arith.constant 8 : i32
      %get3A_170 = arith.index_cast %get3A_169 : i32 to index
      %get3A_171 = arith.index_cast %mul3A_34 : i32 to index
      %get3A_172 = tpu.vector_load %arg7[%get3A_170, %get3A_171] {strides = array<i32>} : memref<32x512xf32, #tpu.memory_space<vmem>>, vector<16xf32>,
      %mul3A_173 = arith.mulf %get3A_168, %get3A_172 : vector<16xf32>
      %add3A_174 = arith.addf %add3A_158, %mul3A_173 : vector<16xf32>
      %get3A_175 = arith.constant 8 : i32
      %get3A_176 = arith.index_cast %get3A_175 : i32 to index
      %get3A_177 = arith.index_cast %mul3A_34 : i32 to index
      %get3A_178 = tpu.vector_load %arg8[%get3A_176, %get3A_177] {strides = array<i32>} : memref<32x512xf32, #tpu.memory_space<vmem>>, vector<16xf32>,
      %mul3A_179 = arith.mulf %get3A_168, %get3A_178 : vector<16xf32>
      %add3A_180 = arith.addf %add3A_164, %mul3A_179 : vector<16xf32>
      %get3A_181 = arith.constant 9 : i32
      %get3A_182 = arith.index_cast %get3A_181 : i32 to index
      %get3A_183 = arith.index_cast %mul3A_34 : i32 to index
      %get3A_184 = tpu.vector_load %arg6[%get3A_182, %get3A_183] {strides = array<i32>} : memref<32x512xf32, #tpu.memory_space<vmem>>, vector<16xf32>,
      %get3A_185 = arith.constant 9 : i32
      %get3A_186 = arith.index_cast %get3A_185 : i32 to index
      %get3A_187 = arith.index_cast %mul3A_34 : i32 to index
      %get3A_188 = tpu.vector_load %arg7[%get3A_186, %get3A_187] {strides = array<i32>} : memref<32x512xf32, #tpu.memory_space<vmem>>, vector<16xf32>,
      %mul3A_189 = arith.mulf %get3A_184, %get3A_188 : vector<16xf32>
      %add3A_190 = arith.addf %add3A_174, %mul3A_189 : vector<16xf32>
      %get3A_191 = arith.constant 9 : i32
      %get3A_192 = arith.index_cast %get3A_191 : i32 to index
      %get3A_193 = arith.index_cast %mul3A_34 : i32 to index
      %get3A_194 = tpu.vector_load %arg8[%get3A_192, %get3A_193] {strides = array<i32>} : memref<32x512xf32, #tpu.memory_space<vmem>>, vector<16xf32>,
      %mul3A_195 = arith.mulf %get3A_184, %get3A_194 : vector<16xf32>
      %add3A_196 = arith.addf %add3A_180, %mul3A_195 : vector<16xf32>
      %get3A_197 = arith.constant 10 : i32
      %get3A_198 = arith.index_cast %get3A_197 : i32 to index
      %get3A_199 = arith.index_cast %mul3A_34 : i32 to index
      %get3A_200 = tpu.vector_load %arg6[%get3A_198, %get3A_199] {strides = array<i32>} : memref<32x512xf32, #tpu.memory_space<vmem>>, vector<16xf32>,
      %get3A_201 = arith.constant 10 : i32
      %get3A_202 = arith.index_cast %get3A_201 : i32 to index
      %get3A_203 = arith.index_cast %mul3A_34 : i32 to index
      %get3A_204 = tpu.vector_load %arg7[%get3A_202, %get3A_203] {strides = array<i32>} : memref<32x512xf32, #tpu.memory_space<vmem>>, vector<16xf32>,
      %mul3A_205 = arith.mulf %get3A_200, %get3A_204 : vector<16xf32>
      %add3A_206 = arith.addf %add3A_190, %mul3A_205 : vector<16xf32>
      %get3A_207 = arith.constant 10 : i32
      %get3A_208 = arith.index_cast %get3A_207 : i32 to index
      %get3A_209 = arith.index_cast %mul3A_34 : i32 to index
      %get3A_210 = tpu.vector_load %arg8[%get3A_208, %get3A_209] {strides = array<i32>} : memref<32x512xf32, #tpu.memory_space<vmem>>, vector<16xf32>,
      %mul3A_211 = arith.mulf %get3A_200, %get3A_210 : vector<16xf32>
      %add3A_212 = arith.addf %add3A_196, %mul3A_211 : vector<16xf32>
      %get3A_213 = arith.constant 11 : i32
      %get3A_214 = arith.index_cast %get3A_213 : i32 to index
      %get3A_215 = arith.index_cast %mul3A_34 : i32 to index
      %get3A_216 = tpu.vector_load %arg6[%get3A_214, %get3A_215] {strides = array<i32>} : memref<32x512xf32, #tpu.memory_space<vmem>>, vector<16xf32>,
      %get3A_217 = arith.constant 11 : i32
      %get3A_218 = arith.index_cast %get3A_217 : i32 to index
      %get3A_219 = arith.index_cast %mul3A_34 : i32 to index
      %get3A_220 = tpu.vector_load %arg7[%get3A_218, %get3A_219] {strides = array<i32>} : memref<32x512xf32, #tpu.memory_space<vmem>>, vector<16xf32>,
      %mul3A_221 = arith.mulf %get3A_216, %get3A_220 : vector<16xf32>
      %add3A_222 = arith.addf %add3A_206, %mul3A_221 : vector<16xf32>
      %get3A_223 = arith.constant 11 : i32
      %get3A_224 = arith.index_cast %get3A_223 : i32 to index
      %get3A_225 = arith.index_cast %mul3A_34 : i32 to index
      %get3A_226 = tpu.vector_load %arg8[%get3A_224, %get3A_225] {strides = array<i32>} : memref<32x512xf32, #tpu.memory_space<vmem>>, vector<16xf32>,
      %mul3A_227 = arith.mulf %get3A_216, %get3A_226 : vector<16xf32>
      %add3A_228 = arith.addf %add3A_212, %mul3A_227 : vector<16xf32>
      %get3A_229 = arith.constant 12 : i32
      %get3A_230 = arith.index_cast %get3A_229 : i32 to index
      %get3A_231 = arith.index_cast %mul3A_34 : i32 to index
      %get3A_232 = tpu.vector_load %arg6[%get3A_230, %get3A_231] {strides = array<i32>} : memref<32x512xf32, #tpu.memory_space<vmem>>, vector<16xf32>,
      %get3A_233 = arith.constant 12 : i32
      %get3A_234 = arith.index_cast %get3A_233 : i32 to index
      %get3A_235 = arith.index_cast %mul3A_34 : i32 to index
      %get3A_236 = tpu.vector_load %arg7[%get3A_234, %get3A_235] {strides = array<i32>} : memref<32x512xf32, #tpu.memory_space<vmem>>, vector<16xf32>,
      %mul3A_237 = arith.mulf %get3A_232, %get3A_236 : vector<16xf32>
      %add3A_238 = arith.addf %add3A_222, %mul3A_237 : vector<16xf32>
      %get3A_239 = arith.constant 12 : i32
      %get3A_240 = arith.index_cast %get3A_239 : i32 to index
      %get3A_241 = arith.index_cast %mul3A_34 : i32 to index
      %get3A_242 = tpu.vector_load %arg8[%get3A_240, %get3A_241] {strides = array<i32>} : memref<32x512xf32, #tpu.memory_space<vmem>>, vector<16xf32>,
      %mul3A_243 = arith.mulf %get3A_232, %get3A_242 : vector<16xf32>
      %add3A_244 = arith.addf %add3A_228, %mul3A_243 : vector<16xf32>
      %get3A_245 = arith.constant 13 : i32
      %get3A_246 = arith.index_cast %get3A_245 : i32 to index
      %get3A_247 = arith.index_cast %mul3A_34 : i32 to index
      %get3A_248 = tpu.vector_load %arg6[%get3A_246, %get3A_247] {strides = array<i32>} : memref<32x512xf32, #tpu.memory_space<vmem>>, vector<16xf32>,
      %get3A_249 = arith.constant 13 : i32
      %get3A_250 = arith.index_cast %get3A_249 : i32 to index
      %get3A_251 = arith.index_cast %mul3A_34 : i32 to index
      %get3A_252 = tpu.vector_load %arg7[%get3A_250, %get3A_251] {strides = array<i32>} : memref<32x512xf32, #tpu.memory_space<vmem>>, vector<16xf32>,
      %mul3A_253 = arith.mulf %get3A_248, %get3A_252 : vector<16xf32>
      %add3A_254 = arith.addf %add3A_238, %mul3A_253 : vector<16xf32>
      %get3A_255 = arith.constant 13 : i32
      %get3A_256 = arith.index_cast %get3A_255 : i32 to index
      %get3A_257 = arith.index_cast %mul3A_34 : i32 to index
      %get3A_258 = tpu.vector_load %arg8[%get3A_256, %get3A_257] {strides = array<i32>} : memref<32x512xf32, #tpu.memory_space<vmem>>, vector<16xf32>,
      %mul3A_259 = arith.mulf %get3A_248, %get3A_258 : vector<16xf32>
      %add3A_260 = arith.addf %add3A_244, %mul3A_259 : vector<16xf32>
      %get3A_261 = arith.constant 14 : i32
      %get3A_262 = arith.index_cast %get3A_261 : i32 to index
      %get3A_263 = arith.index_cast %mul3A_34 : i32 to index
      %get3A_264 = tpu.vector_load %arg6[%get3A_262, %get3A_263] {strides = array<i32>} : memref<32x512xf32, #tpu.memory_space<vmem>>, vector<16xf32>,
      %get3A_265 = arith.constant 14 : i32
      %get3A_266 = arith.index_cast %get3A_265 : i32 to index
      %get3A_267 = arith.index_cast %mul3A_34 : i32 to index
      %get3A_268 = tpu.vector_load %arg7[%get3A_266, %get3A_267] {strides = array<i32>} : memref<32x512xf32, #tpu.memory_space<vmem>>, vector<16xf32>,
      %mul3A_269 = arith.mulf %get3A_264, %get3A_268 : vector<16xf32>
      %add3A_270 = arith.addf %add3A_254, %mul3A_269 : vector<16xf32>
      %get3A_271 = arith.constant 14 : i32
      %get3A_272 = arith.index_cast %get3A_271 : i32 to index
      %get3A_273 = arith.index_cast %mul3A_34 : i32 to index
      %get3A_274 = tpu.vector_load %arg8[%get3A_272, %get3A_273] {strides = array<i32>} : memref<32x512xf32, #tpu.memory_space<vmem>>, vector<16xf32>,
      %mul3A_275 = arith.mulf %get3A_264, %get3A_274 : vector<16xf32>
      %add3A_276 = arith.addf %add3A_260, %mul3A_275 : vector<16xf32>
      %get3A_277 = arith.constant 15 : i32
      %get3A_278 = arith.index_cast %get3A_277 : i32 to index
      %get3A_279 = arith.index_cast %mul3A_34 : i32 to index
      %get3A_280 = tpu.vector_load %arg6[%get3A_278, %get3A_279] {strides = array<i32>} : memref<32x512xf32, #tpu.memory_space<vmem>>, vector<16xf32>,
      %get3A_281 = arith.constant 15 : i32
      %get3A_282 = arith.index_cast %get3A_281 : i32 to index
      %get3A_283 = arith.index_cast %mul3A_34 : i32 to index
      %get3A_284 = tpu.vector_load %arg7[%get3A_282, %get3A_283] {strides = array<i32>} : memref<32x512xf32, #tpu.memory_space<vmem>>, vector<16xf32>,
      %mul3A_285 = arith.mulf %get3A_280, %get3A_284 : vector<16xf32>
      %add3A_286 = arith.addf %add3A_270, %mul3A_285 : vector<16xf32>
      %get3A_287 = arith.constant 15 : i32
      %get3A_288 = arith.index_cast %get3A_287 : i32 to index
      %get3A_289 = arith.index_cast %mul3A_34 : i32 to index
      %get3A_290 = tpu.vector_load %arg8[%get3A_288, %get3A_289] {strides = array<i32>} : memref<32x512xf32, #tpu.memory_space<vmem>>, vector<16xf32>,
      %mul3A_291 = arith.mulf %get3A_280, %get3A_290 : vector<16xf32>
      %add3A_292 = arith.addf %add3A_276, %mul3A_291 : vector<16xf32>
      %get3A_293 = arith.constant 16 : i32
      %get3A_294 = arith.index_cast %get3A_293 : i32 to index
      %get3A_295 = arith.index_cast %mul3A_34 : i32 to index
      %get3A_296 = tpu.vector_load %arg6[%get3A_294, %get3A_295] {strides = array<i32>} : memref<32x512xf32, #tpu.memory_space<vmem>>, vector<16xf32>,
      %get3A_297 = arith.constant 16 : i32
      %get3A_298 = arith.index_cast %get3A_297 : i32 to index
      %get3A_299 = arith.index_cast %mul3A_34 : i32 to index
      %get3A_300 = tpu.vector_load %arg7[%get3A_298, %get3A_299] {strides = array<i32>} : memref<32x512xf32, #tpu.memory_space<vmem>>, vector<16xf32>,
      %mul3A_301 = arith.mulf %get3A_296, %get3A_300 : vector<16xf32>
      %add3A_302 = arith.addf %add3A_286, %mul3A_301 : vector<16xf32>
      %get3A_303 = arith.constant 16 : i32
      %get3A_304 = arith.index_cast %get3A_303 : i32 to index
      %get3A_305 = arith.index_cast %mul3A_34 : i32 to index
      %get3A_306 = tpu.vector_load %arg8[%get3A_304, %get3A_305] {strides = array<i32>} : memref<32x512xf32, #tpu.memory_space<vmem>>, vector<16xf32>,
      %mul3A_307 = arith.mulf %get3A_296, %get3A_306 : vector<16xf32>
      %add3A_308 = arith.addf %add3A_292, %mul3A_307 : vector<16xf32>
      %get3A_309 = arith.constant 17 : i32
      %get3A_310 = arith.index_cast %get3A_309 : i32 to index
      %get3A_311 = arith.index_cast %mul3A_34 : i32 to index
      %get3A_312 = tpu.vector_load %arg6[%get3A_310, %get3A_311] {strides = array<i32>} : memref<32x512xf32, #tpu.memory_space<vmem>>, vector<16xf32>,
      %get3A_313 = arith.constant 17 : i32
      %get3A_314 = arith.index_cast %get3A_313 : i32 to index
      %get3A_315 = arith.index_cast %mul3A_34 : i32 to index
      %get3A_316 = tpu.vector_load %arg7[%get3A_314, %get3A_315] {strides = array<i32>} : memref<32x512xf32, #tpu.memory_space<vmem>>, vector<16xf32>,
      %mul3A_317 = arith.mulf %get3A_312, %get3A_316 : vector<16xf32>
      %add3A_318 = arith.addf %add3A_302, %mul3A_317 : vector<16xf32>
      %get3A_319 = arith.constant 17 : i32
      %get3A_320 = arith.index_cast %get3A_319 : i32 to index
      %get3A_321 = arith.index_cast %mul3A_34 : i32 to index
      %get3A_322 = tpu.vector_load %arg8[%get3A_320, %get3A_321] {strides = array<i32>} : memref<32x512xf32, #tpu.memory_space<vmem>>, vector<16xf32>,
      %mul3A_323 = arith.mulf %get3A_312, %get3A_322 : vector<16xf32>
      %add3A_324 = arith.addf %add3A_308, %mul3A_323 : vector<16xf32>
      %get3A_325 = arith.constant 18 : i32
      %get3A_326 = arith.index_cast %get3A_325 : i32 to index
      %get3A_327 = arith.index_cast %mul3A_34 : i32 to index
      %get3A_328 = tpu.vector_load %arg6[%get3A_326, %get3A_327] {strides = array<i32>} : memref<32x512xf32, #tpu.memory_space<vmem>>, vector<16xf32>,
      %get3A_329 = arith.constant 18 : i32
      %get3A_330 = arith.index_cast %get3A_329 : i32 to index
      %get3A_331 = arith.index_cast %mul3A_34 : i32 to index
      %get3A_332 = tpu.vector_load %arg7[%get3A_330, %get3A_331] {strides = array<i32>} : memref<32x512xf32, #tpu.memory_space<vmem>>, vector<16xf32>,
      %mul3A_333 = arith.mulf %get3A_328, %get3A_332 : vector<16xf32>
      %add3A_334 = arith.addf %add3A_318, %mul3A_333 : vector<16xf32>
      %get3A_335 = arith.constant 18 : i32
      %get3A_336 = arith.index_cast %get3A_335 : i32 to index
      %get3A_337 = arith.index_cast %mul3A_34 : i32 to index
      %get3A_338 = tpu.vector_load %arg8[%get3A_336, %get3A_337] {strides = array<i32>} : memref<32x512xf32, #tpu.memory_space<vmem>>, vector<16xf32>,
      %mul3A_339 = arith.mulf %get3A_328, %get3A_338 : vector<16xf32>
      %add3A_340 = arith.addf %add3A_324, %mul3A_339 : vector<16xf32>
      %get3A_341 = arith.constant 19 : i32
      %get3A_342 = arith.index_cast %get3A_341 : i32 to index
      %get3A_343 = arith.index_cast %mul3A_34 : i32 to index
      %get3A_344 = tpu.vector_load %arg6[%get3A_342, %get3A_343] {strides = array<i32>} : memref<32x512xf32, #tpu.memory_space<vmem>>, vector<16xf32>,
      %get3A_345 = arith.constant 19 : i32
      %get3A_346 = arith.index_cast %get3A_345 : i32 to index
      %get3A_347 = arith.index_cast %mul3A_34 : i32 to index
      %get3A_348 = tpu.vector_load %arg7[%get3A_346, %get3A_347] {strides = array<i32>} : memref<32x512xf32, #tpu.memory_space<vmem>>, vector<16xf32>,
      %mul3A_349 = arith.mulf %get3A_344, %get3A_348 : vector<16xf32>
      %add3A_350 = arith.addf %add3A_334, %mul3A_349 : vector<16xf32>
      %get3A_351 = arith.constant 19 : i32
      %get3A_352 = arith.index_cast %get3A_351 : i32 to index
      %get3A_353 = arith.index_cast %mul3A_34 : i32 to index
      %get3A_354 = tpu.vector_load %arg8[%get3A_352, %get3A_353] {strides = array<i32>} : memref<32x512xf32, #tpu.memory_space<vmem>>, vector<16xf32>,
      %mul3A_355 = arith.mulf %get3A_344, %get3A_354 : vector<16xf32>
      %add3A_356 = arith.addf %add3A_340, %mul3A_355 : vector<16xf32>
      %get3A_357 = arith.constant 20 : i32
      %get3A_358 = arith.index_cast %get3A_357 : i32 to index
      %get3A_359 = arith.index_cast %mul3A_34 : i32 to index
      %get3A_360 = tpu.vector_load %arg6[%get3A_358, %get3A_359] {strides = array<i32>} : memref<32x512xf32, #tpu.memory_space<vmem>>, vector<16xf32>,
      %get3A_361 = arith.constant 20 : i32
      %get3A_362 = arith.index_cast %get3A_361 : i32 to index
      %get3A_363 = arith.index_cast %mul3A_34 : i32 to index
      %get3A_364 = tpu.vector_load %arg7[%get3A_362, %get3A_363] {strides = array<i32>} : memref<32x512xf32, #tpu.memory_space<vmem>>, vector<16xf32>,
      %mul3A_365 = arith.mulf %get3A_360, %get3A_364 : vector<16xf32>
      %add3A_366 = arith.addf %add3A_350, %mul3A_365 : vector<16xf32>
      %get3A_367 = arith.constant 20 : i32
      %get3A_368 = arith.index_cast %get3A_367 : i32 to index
      %get3A_369 = arith.index_cast %mul3A_34 : i32 to index
      %get3A_370 = tpu.vector_load %arg8[%get3A_368, %get3A_369] {strides = array<i32>} : memref<32x512xf32, #tpu.memory_space<vmem>>, vector<16xf32>,
      %mul3A_371 = arith.mulf %get3A_360, %get3A_370 : vector<16xf32>
      %add3A_372 = arith.addf %add3A_356, %mul3A_371 : vector<16xf32>
      %get3A_373 = arith.constant 21 : i32
      %get3A_374 = arith.index_cast %get3A_373 : i32 to index
      %get3A_375 = arith.index_cast %mul3A_34 : i32 to index
      %get3A_376 = tpu.vector_load %arg6[%get3A_374, %get3A_375] {strides = array<i32>} : memref<32x512xf32, #tpu.memory_space<vmem>>, vector<16xf32>,
      %get3A_377 = arith.constant 21 : i32
      %get3A_378 = arith.index_cast %get3A_377 : i32 to index
      %get3A_379 = arith.index_cast %mul3A_34 : i32 to index
      %get3A_380 = tpu.vector_load %arg7[%get3A_378, %get3A_379] {strides = array<i32>} : memref<32x512xf32, #tpu.memory_space<vmem>>, vector<16xf32>,
      %mul3A_381 = arith.mulf %get3A_376, %get3A_380 : vector<16xf32>
      %add3A_382 = arith.addf %add3A_366, %mul3A_381 : vector<16xf32>
      %get3A_383 = arith.constant 21 : i32
      %get3A_384 = arith.index_cast %get3A_383 : i32 to index
      %get3A_385 = arith.index_cast %mul3A_34 : i32 to index
      %get3A_386 = tpu.vector_load %arg8[%get3A_384, %get3A_385] {strides = array<i32>} : memref<32x512xf32, #tpu.memory_space<vmem>>, vector<16xf32>,
      %mul3A_387 = arith.mulf %get3A_376, %get3A_386 : vector<16xf32>
      %add3A_388 = arith.addf %add3A_372, %mul3A_387 : vector<16xf32>
      %get3A_389 = arith.constant 22 : i32
      %get3A_390 = arith.index_cast %get3A_389 : i32 to index
      %get3A_391 = arith.index_cast %mul3A_34 : i32 to index
      %get3A_392 = tpu.vector_load %arg6[%get3A_390, %get3A_391] {strides = array<i32>} : memref<32x512xf32, #tpu.memory_space<vmem>>, vector<16xf32>,
      %get3A_393 = arith.constant 22 : i32
      %get3A_394 = arith.index_cast %get3A_393 : i32 to index
      %get3A_395 = arith.index_cast %mul3A_34 : i32 to index
      %get3A_396 = tpu.vector_load %arg7[%get3A_394, %get3A_395] {strides = array<i32>} : memref<32x512xf32, #tpu.memory_space<vmem>>, vector<16xf32>,
      %mul3A_397 = arith.mulf %get3A_392, %get3A_396 : vector<16xf32>
      %add3A_398 = arith.addf %add3A_382, %mul3A_397 : vector<16xf32>
      %get3A_399 = arith.constant 22 : i32
      %get3A_400 = arith.index_cast %get3A_399 : i32 to index
      %get3A_401 = arith.index_cast %mul3A_34 : i32 to index
      %get3A_402 = tpu.vector_load %arg8[%get3A_400, %get3A_401] {strides = array<i32>} : memref<32x512xf32, #tpu.memory_space<vmem>>, vector<16xf32>,
      %mul3A_403 = arith.mulf %get3A_392, %get3A_402 : vector<16xf32>
      %add3A_404 = arith.addf %add3A_388, %mul3A_403 : vector<16xf32>
      %get3A_405 = arith.constant 23 : i32
      %get3A_406 = arith.index_cast %get3A_405 : i32 to index
      %get3A_407 = arith.index_cast %mul3A_34 : i32 to index
      %get3A_408 = tpu.vector_load %arg6[%get3A_406, %get3A_407] {strides = array<i32>} : memref<32x512xf32, #tpu.memory_space<vmem>>, vector<16xf32>,
      %get3A_409 = arith.constant 23 : i32
      %get3A_410 = arith.index_cast %get3A_409 : i32 to index
      %get3A_411 = arith.index_cast %mul3A_34 : i32 to index
      %get3A_412 = tpu.vector_load %arg7[%get3A_410, %get3A_411] {strides = array<i32>} : memref<32x512xf32, #tpu.memory_space<vmem>>, vector<16xf32>,
      %mul3A_413 = arith.mulf %get3A_408, %get3A_412 : vector<16xf32>
      %add3A_414 = arith.addf %add3A_398, %mul3A_413 : vector<16xf32>
      %get3A_415 = arith.constant 23 : i32
      %get3A_416 = arith.index_cast %get3A_415 : i32 to index
      %get3A_417 = arith.index_cast %mul3A_34 : i32 to index
      %get3A_418 = tpu.vector_load %arg8[%get3A_416, %get3A_417] {strides = array<i32>} : memref<32x512xf32, #tpu.memory_space<vmem>>, vector<16xf32>,
      %mul3A_419 = arith.mulf %get3A_408, %get3A_418 : vector<16xf32>
      %add3A_420 = arith.addf %add3A_404, %mul3A_419 : vector<16xf32>
      %get3A_421 = arith.constant 24 : i32
      %get3A_422 = arith.index_cast %get3A_421 : i32 to index
      %get3A_423 = arith.index_cast %mul3A_34 : i32 to index
      %get3A_424 = tpu.vector_load %arg6[%get3A_422, %get3A_423] {strides = array<i32>} : memref<32x512xf32, #tpu.memory_space<vmem>>, vector<16xf32>,
      %get3A_425 = arith.constant 24 : i32
      %get3A_426 = arith.index_cast %get3A_425 : i32 to index
      %get3A_427 = arith.index_cast %mul3A_34 : i32 to index
      %get3A_428 = tpu.vector_load %arg7[%get3A_426, %get3A_427] {strides = array<i32>} : memref<32x512xf32, #tpu.memory_space<vmem>>, vector<16xf32>,
      %mul3A_429 = arith.mulf %get3A_424, %get3A_428 : vector<16xf32>
      %add3A_430 = arith.addf %add3A_414, %mul3A_429 : vector<16xf32>
      %get3A_431 = arith.constant 24 : i32
      %get3A_432 = arith.index_cast %get3A_431 : i32 to index
      %get3A_433 = arith.index_cast %mul3A_34 : i32 to index
      %get3A_434 = tpu.vector_load %arg8[%get3A_432, %get3A_433] {strides = array<i32>} : memref<32x512xf32, #tpu.memory_space<vmem>>, vector<16xf32>,
      %mul3A_435 = arith.mulf %get3A_424, %get3A_434 : vector<16xf32>
      %add3A_436 = arith.addf %add3A_420, %mul3A_435 : vector<16xf32>
      %get3A_437 = arith.constant 25 : i32
      %get3A_438 = arith.index_cast %get3A_437 : i32 to index
      %get3A_439 = arith.index_cast %mul3A_34 : i32 to index
      %get3A_440 = tpu.vector_load %arg6[%get3A_438, %get3A_439] {strides = array<i32>} : memref<32x512xf32, #tpu.memory_space<vmem>>, vector<16xf32>,
      %get3A_441 = arith.constant 25 : i32
      %get3A_442 = arith.index_cast %get3A_441 : i32 to index
      %get3A_443 = arith.index_cast %mul3A_34 : i32 to index
      %get3A_444 = tpu.vector_load %arg7[%get3A_442, %get3A_443] {strides = array<i32>} : memref<32x512xf32, #tpu.memory_space<vmem>>, vector<16xf32>,
      %mul3A_445 = arith.mulf %get3A_440, %get3A_444 : vector<16xf32>
      %add3A_446 = arith.addf %add3A_430, %mul3A_445 : vector<16xf32>
      %get3A_447 = arith.constant 25 : i32
      %get3A_448 = arith.index_cast %get3A_447 : i32 to index
      %get3A_449 = arith.index_cast %mul3A_34 : i32 to index
      %get3A_450 = tpu.vector_load %arg8[%get3A_448, %get3A_449] {strides = array<i32>} : memref<32x512xf32, #tpu.memory_space<vmem>>, vector<16xf32>,
      %mul3A_451 = arith.mulf %get3A_440, %get3A_450 : vector<16xf32>
      %add3A_452 = arith.addf %add3A_436, %mul3A_451 : vector<16xf32>
      %get3A_453 = arith.constant 26 : i32
      %get3A_454 = arith.index_cast %get3A_453 : i32 to index
      %get3A_455 = arith.index_cast %mul3A_34 : i32 to index
      %get3A_456 = tpu.vector_load %arg6[%get3A_454, %get3A_455] {strides = array<i32>} : memref<32x512xf32, #tpu.memory_space<vmem>>, vector<16xf32>,
      %get3A_457 = arith.constant 26 : i32
      %get3A_458 = arith.index_cast %get3A_457 : i32 to index
      %get3A_459 = arith.index_cast %mul3A_34 : i32 to index
      %get3A_460 = tpu.vector_load %arg7[%get3A_458, %get3A_459] {strides = array<i32>} : memref<32x512xf32, #tpu.memory_space<vmem>>, vector<16xf32>,
      %mul3A_461 = arith.mulf %get3A_456, %get3A_460 : vector<16xf32>
      %add3A_462 = arith.addf %add3A_446, %mul3A_461 : vector<16xf32>
      %get3A_463 = arith.constant 26 : i32
      %get3A_464 = arith.index_cast %get3A_463 : i32 to index
      %get3A_465 = arith.index_cast %mul3A_34 : i32 to index
      %get3A_466 = tpu.vector_load %arg8[%get3A_464, %get3A_465] {strides = array<i32>} : memref<32x512xf32, #tpu.memory_space<vmem>>, vector<16xf32>,
      %mul3A_467 = arith.mulf %get3A_456, %get3A_466 : vector<16xf32>
      %add3A_468 = arith.addf %add3A_452, %mul3A_467 : vector<16xf32>
      %get3A_469 = arith.constant 27 : i32
      %get3A_470 = arith.index_cast %get3A_469 : i32 to index
      %get3A_471 = arith.index_cast %mul3A_34 : i32 to index
      %get3A_472 = tpu.vector_load %arg6[%get3A_470, %get3A_471] {strides = array<i32>} : memref<32x512xf32, #tpu.memory_space<vmem>>, vector<16xf32>,
      %get3A_473 = arith.constant 27 : i32
      %get3A_474 = arith.index_cast %get3A_473 : i32 to index
      %get3A_475 = arith.index_cast %mul3A_34 : i32 to index
      %get3A_476 = tpu.vector_load %arg7[%get3A_474, %get3A_475] {strides = array<i32>} : memref<32x512xf32, #tpu.memory_space<vmem>>, vector<16xf32>,
      %mul3A_477 = arith.mulf %get3A_472, %get3A_476 : vector<16xf32>
      %add3A_478 = arith.addf %add3A_462, %mul3A_477 : vector<16xf32>
      %get3A_479 = arith.constant 27 : i32
      %get3A_480 = arith.index_cast %get3A_479 : i32 to index
      %get3A_481 = arith.index_cast %mul3A_34 : i32 to index
      %get3A_482 = tpu.vector_load %arg8[%get3A_480, %get3A_481] {strides = array<i32>} : memref<32x512xf32, #tpu.memory_space<vmem>>, vector<16xf32>,
      %mul3A_483 = arith.mulf %get3A_472, %get3A_482 : vector<16xf32>
      %add3A_484 = arith.addf %add3A_468, %mul3A_483 : vector<16xf32>
      %get3A_485 = arith.constant 28 : i32
      %get3A_486 = arith.index_cast %get3A_485 : i32 to index
      %get3A_487 = arith.index_cast %mul3A_34 : i32 to index
      %get3A_488 = tpu.vector_load %arg6[%get3A_486, %get3A_487] {strides = array<i32>} : memref<32x512xf32, #tpu.memory_space<vmem>>, vector<16xf32>,
      %get3A_489 = arith.constant 28 : i32
      %get3A_490 = arith.index_cast %get3A_489 : i32 to index
      %get3A_491 = arith.index_cast %mul3A_34 : i32 to index
      %get3A_492 = tpu.vector_load %arg7[%get3A_490, %get3A_491] {strides = array<i32>} : memref<32x512xf32, #tpu.memory_space<vmem>>, vector<16xf32>,
      %mul3A_493 = arith.mulf %get3A_488, %get3A_492 : vector<16xf32>
      %add3A_494 = arith.addf %add3A_478, %mul3A_493 : vector<16xf32>
      %get3A_495 = arith.constant 28 : i32
      %get3A_496 = arith.index_cast %get3A_495 : i32 to index
      %get3A_497 = arith.index_cast %mul3A_34 : i32 to index
      %get3A_498 = tpu.vector_load %arg8[%get3A_496, %get3A_497] {strides = array<i32>} : memref<32x512xf32, #tpu.memory_space<vmem>>, vector<16xf32>,
      %mul3A_499 = arith.mulf %get3A_488, %get3A_498 : vector<16xf32>
      %add3A_500 = arith.addf %add3A_484, %mul3A_499 : vector<16xf32>
      %get3A_501 = arith.constant 29 : i32
      %get3A_502 = arith.index_cast %get3A_501 : i32 to index
      %get3A_503 = arith.index_cast %mul3A_34 : i32 to index
      %get3A_504 = tpu.vector_load %arg6[%get3A_502, %get3A_503] {strides = array<i32>} : memref<32x512xf32, #tpu.memory_space<vmem>>, vector<16xf32>,
      %get3A_505 = arith.constant 29 : i32
      %get3A_506 = arith.index_cast %get3A_505 : i32 to index
      %get3A_507 = arith.index_cast %mul3A_34 : i32 to index
      %get3A_508 = tpu.vector_load %arg7[%get3A_506, %get3A_507] {strides = array<i32>} : memref<32x512xf32, #tpu.memory_space<vmem>>, vector<16xf32>,
      %mul3A_509 = arith.mulf %get3A_504, %get3A_508 : vector<16xf32>
      %add3A_510 = arith.addf %add3A_494, %mul3A_509 : vector<16xf32>
      %get3A_511 = arith.constant 29 : i32
      %get3A_512 = arith.index_cast %get3A_511 : i32 to index
      %get3A_513 = arith.index_cast %mul3A_34 : i32 to index
      %get3A_514 = tpu.vector_load %arg8[%get3A_512, %get3A_513] {strides = array<i32>} : memref<32x512xf32, #tpu.memory_space<vmem>>, vector<16xf32>,
      %mul3A_515 = arith.mulf %get3A_504, %get3A_514 : vector<16xf32>
      %add3A_516 = arith.addf %add3A_500, %mul3A_515 : vector<16xf32>
      %get3A_517 = arith.constant 30 : i32
      %get3A_518 = arith.index_cast %get3A_517 : i32 to index
      %get3A_519 = arith.index_cast %mul3A_34 : i32 to index
      %get3A_520 = tpu.vector_load %arg6[%get3A_518, %get3A_519] {strides = array<i32>} : memref<32x512xf32, #tpu.memory_space<vmem>>, vector<16xf32>,
      %get3A_521 = arith.constant 30 : i32
      %get3A_522 = arith.index_cast %get3A_521 : i32 to index
      %get3A_523 = arith.index_cast %mul3A_34 : i32 to index
      %get3A_524 = tpu.vector_load %arg7[%get3A_522, %get3A_523] {strides = array<i32>} : memref<32x512xf32, #tpu.memory_space<vmem>>, vector<16xf32>,
      %mul3A_525 = arith.mulf %get3A_520, %get3A_524 : vector<16xf32>
      %add3A_526 = arith.addf %add3A_510, %mul3A_525 : vector<16xf32>
      %get3A_527 = arith.constant 30 : i32
      %get3A_528 = arith.index_cast %get3A_527 : i32 to index
      %get3A_529 = arith.index_cast %mul3A_34 : i32 to index
      %get3A_530 = tpu.vector_load %arg8[%get3A_528, %get3A_529] {strides = array<i32>} : memref<32x512xf32, #tpu.memory_space<vmem>>, vector<16xf32>,
      %mul3A_531 = arith.mulf %get3A_520, %get3A_530 : vector<16xf32>
      %add3A_532 = arith.addf %add3A_516, %mul3A_531 : vector<16xf32>
      %get3A_533 = arith.constant 31 : i32
      %get3A_534 = arith.index_cast %get3A_533 : i32 to index
      %get3A_535 = arith.index_cast %mul3A_34 : i32 to index
      %get3A_536 = tpu.vector_load %arg6[%get3A_534, %get3A_535] {strides = array<i32>} : memref<32x512xf32, #tpu.memory_space<vmem>>, vector<16xf32>,
      %get3A_537 = arith.constant 31 : i32
      %get3A_538 = arith.index_cast %get3A_537 : i32 to index
      %get3A_539 = arith.index_cast %mul3A_34 : i32 to index
      %get3A_540 = tpu.vector_load %arg7[%get3A_538, %get3A_539] {strides = array<i32>} : memref<32x512xf32, #tpu.memory_space<vmem>>, vector<16xf32>,
      %mul3A_541 = arith.mulf %get3A_536, %get3A_540 : vector<16xf32>
      %add3A_542 = arith.addf %add3A_526, %mul3A_541 : vector<16xf32>
      %get3A_543 = arith.constant 31 : i32
      %get3A_544 = arith.index_cast %get3A_543 : i32 to index
      %get3A_545 = arith.index_cast %mul3A_34 : i32 to index
      %get3A_546 = tpu.vector_load %arg8[%get3A_544, %get3A_545] {strides = array<i32>} : memref<32x512xf32, #tpu.memory_space<vmem>>, vector<16xf32>,
      %mul3A_547 = arith.mulf %get3A_536, %get3A_546 : vector<16xf32>
      %add3A_548 = arith.addf %add3A_532, %mul3A_547 : vector<16xf32>
      %swap3A = arith.index_cast %mul3A_34 : i32 to index
      %swap3A_549 = tpu.vector_load %arg9[%swap3A] {strides = array<i32>} : memref<512xf32, #tpu.memory_space<vmem>>, vector<16xf32>,
      tpu.vector_store %arg9[%swap3A], %add3A_542 {strides = array<i32>} : memref<512xf32, #tpu.memory_space<vmem>>, vector<16xf32>,
      %swap3A_550 = arith.index_cast %mul3A_34 : i32 to index
      %swap3A_551 = tpu.vector_load %arg10[%swap3A_550] {strides = array<i32>} : memref<512xf32, #tpu.memory_space<vmem>>, vector<16xf32>,
      tpu.vector_store %arg10[%swap3A_550], %add3A_548 {strides = array<i32>} : memref<512xf32, #tpu.memory_space<vmem>>, vector<16xf32>,
    }
    %scan3A_31 = arith.constant 32 : i32
    "tpu.region"() ({
      %run_scoped3A = tpu.sem_alloc : memref<!tpu.dma_semaphore, #tpu.memory_space<semaphore_mem>>
      %dma_start3A_32 = tpu.memref_slice %arg4[%mul3A_2] : memref<16384xf32, #tpu.memory_space<hbm>> -> memref<512xf32, #tpu.memory_space<hbm>>
      %dma_start3A_33 = tpu.memref_slice %arg4[%mul3A_2] : memref<16384xf32, #tpu.memory_space<hbm>> -> memref<512xf32, #tpu.memory_space<hbm>>
      tpu.enqueue_dma source(%arg9 : memref<512xf32, #tpu.memory_space<vmem>>) target(%dma_start3A_33 : memref<512xf32, #tpu.memory_space<hbm>>) target_semaphore(%run_scoped3A : memref<!tpu.dma_semaphore, #tpu.memory_space<semaphore_mem>>)
      %dma_wait3A_34 = tpu.memref_slice %arg4[%mul3A_2] : memref<16384xf32, #tpu.memory_space<hbm>> -> memref<512xf32, #tpu.memory_space<hbm>>
      %dma_wait3A_35 = tpu.memref_slice %arg4[%mul3A_2] : memref<16384xf32, #tpu.memory_space<hbm>> -> memref<512xf32, #tpu.memory_space<hbm>>
      tpu.wait_dma2 semaphore(%run_scoped3A : memref<!tpu.dma_semaphore, #tpu.memory_space<semaphore_mem>>) src(%arg9 : memref<512xf32, #tpu.memory_space<vmem>>) dst(%dma_wait3A_35 : memref<512xf32, #tpu.memory_space<hbm>>)
      tpu.yield
    }) : () -> ()
    "tpu.region"() ({
      %run_scoped3A = tpu.sem_alloc : memref<!tpu.dma_semaphore, #tpu.memory_space<semaphore_mem>>
      %dma_start3A_32 = tpu.memref_slice %arg5[%mul3A_2] : memref<16384xf32, #tpu.memory_space<hbm>> -> memref<512xf32, #tpu.memory_space<hbm>>
      %dma_start3A_33 = tpu.memref_slice %arg5[%mul3A_2] : memref<16384xf32, #tpu.memory_space<hbm>> -> memref<512xf32, #tpu.memory_space<hbm>>
      tpu.enqueue_dma source(%arg10 : memref<512xf32, #tpu.memory_space<vmem>>) target(%dma_start3A_33 : memref<512xf32, #tpu.memory_space<hbm>>) target_semaphore(%run_scoped3A : memref<!tpu.dma_semaphore, #tpu.memory_space<semaphore_mem>>)
      %dma_wait3A_34 = tpu.memref_slice %arg5[%mul3A_2] : memref<16384xf32, #tpu.memory_space<hbm>> -> memref<512xf32, #tpu.memory_space<hbm>>
      %dma_wait3A_35 = tpu.memref_slice %arg5[%mul3A_2] : memref<16384xf32, #tpu.memory_space<hbm>> -> memref<512xf32, #tpu.memory_space<hbm>>
      tpu.wait_dma2 semaphore(%run_scoped3A : memref<!tpu.dma_semaphore, #tpu.memory_space<semaphore_mem>>) src(%arg10 : memref<512xf32, #tpu.memory_space<vmem>>) dst(%dma_wait3A_35 : memref<512xf32, #tpu.memory_space<hbm>>)
      tpu.yield
    }) : () -> ()
    return
  }
}

</mosaic_0001>

<sc_bundles>
// kernel: gather_offload_async_start.1
scs
__scs_entry_jumppad:
0x0: {  	(pc) =	sbr.rel $0x88, $3  }
0x1: {  	(tag) =	ssettag $0x0;
	lr =	simm.s32 $0x1  }
0x2: {  	[smem:$0x3F9C] =	sst lr;
	_ =	strace $0xD0000000  }
0x3: {  	_ = 	snop  }
0x4: {  	_ = 	snop  }
0x5: {  	_ = 	snop  }
0x6: {  	_ = 	snop  }
0x7: {  	_ = 	snop  }
__scs_overlays_trampoline_lowered:
0x8: {  	[smem:$0x3FAB] =	sst s0  }
0x9: {  	[smem:$0x3FAC] =	sst s1  }
0xa: {  	[smem:$0x3FAD] =	sst s2  }
0xb: {  	[smem:$0x3FAE] =	sst s3  }
0xc: {  	[smem:$0x3FAF] =	sst s4  }
0xd: {  	[smem:$0x3FB0] =	sst s5  }
0xe: {  	[smem:$0x3FB1] =	sst s6  }
0xf: {  	[smem:$0x3FB2] =	sst s7  }
0x10: {  	[smem:$0x3FB3] =	sst s8  }
0x11: {  	[smem:$0x3FB4] =	sst s9;
	s0 =	simm.s32 @!p0 $0x0  }
0x12: {  	s1 =	sld [smem:$0x3F9A];
	s0 =	simm.s32 @p0 $0x1  }
0x13: {  	[smem:$0x3FB5] =	sst s0;
	s0 =	simm.s32 @!p1 $0x0  }
0x14: {  	s2 =	sld [smem:$0x3F99];
	s0 =	simm.s32 @p1 $0x1  }
0x15: {  	[smem:$0x3FB6] =	sst s0;
	s0 =	simm.s32 @!p2 $0x0  }
0x16: {  	s3 =	sld [smem:$0x3FDB];
	s0 =	simm.s32 @p2 $0x1  }
0x17: {  	s4 =	simm.s32 $0x1BF5;
	[smem:$0x3FB8] =	sst s0  }
0x18: {  	s0 =	sld [smem:$0x3F9B];
	_ =	swait.ge [sflag:s4], $0x0  }
0x19: {  	s7 =	sld [smem:$0x3F9C]  }
0x1a: {  	s8 =	sadd.s32 $0xFFFFE003, lr  }
0x1b: {  	s9 =	sadd.s32 $0xFFFFFEF7, lr;
	s5 =	simm.s32 $0xFFFFFFFF;
	p2 =	slt.u32 s8, $0xFFFFF086  }
0x1c: {  	p1 =	slt.u32 s9, $0xF7A;
	s5 =	simm.s32 @!p2 $0x0  }
0x1d: {  	s5 =	simm.s32 @p1 $0x1;
	p0 =	seq.s32 s7, s2  }
0x1e: {  	s7 =	smul.u32 @!p0 $0xF7A, s2;
	p2 =	seq.s32 @!p0 s5, $0x0  }
0x1f: {  	s9 =	smul.u32 $0xF7A, s1;
	s8 =	simm.s32 @!p0 $0x1BF5;
	p2 =	por !p2, p0  }
0x20: {  	[sflag:s8] =	ssyncset.s32 @!p0 $0xFFFFF086;
	s6 =	sadd.s32 @!p0 s3, s7;
	s7 =	simm.s32 @!p0 $0x108  }
0x21: {  	s3 =	sadd.s32 s3, s9;
	s6 =	sadd.s32 @!p0 $0x88, s6;
	s7 =	simm.s32 @p2 $0x1082  }
0x22: {  	[simem:s7], [sflag:s8] =	dma.local @!p0 [hbm:s6], $0xF7A  }
0x23: {  	s9 =	sor.u32 $0xD0000000, s2;
	s6 =	simm.s32 $0x108;
	_ =	swait.ge @!p0 [sflag:s8], $0x0  }
0x24: {  	s3 =	sadd.s32 $0x88, s3;
	s6 =	simm.s32 @!p1 $0x1082;
	[sflag:s4] =	ssyncset.s32 $0xFFFFF086  }
0x25: {  	[simem:s6], [sflag:s4] =	dma.local [hbm:s3], $0xF7A  }
0x26: {  	[smem:$0x3F9C] =	sst s1;
	(tag) =	ssettag s2;
	_ =	strace s9  }
0x27: {  	s1 =	sld [smem:$0x3FAC]  }
0x28: {  	s2 =	sld [smem:$0x3FAD]  }
0x29: {  	s4 =	sld [smem:$0x3FAF]  }
0x2a: {  	p0 =	seq.s32 s5, $0x0;
	s5 =	sld [smem:$0x3FB0]  }
0x2b: {  	s6 =	sld [smem:$0x3FB1]  }
0x2c: {  	s7 =	sld [smem:$0x3FB2]  }
0x2d: {  	s3 =	simm.s32 $0x108;
	s8 =	sld [smem:$0x3FB3]  }
0x2e: {  	s3 =	simm.s32 @!p0 $0x1082;
	s9 =	sld [smem:$0x3FB4]  }
0x2f: {  	lr =	sadd.s32 s0, s3;
	s0 =	sld [smem:$0x3FAB]  }
0x30: {  	s3 =	sld [smem:$0x3FAE]  }
0x31: {  	[smem:$0x3FB7] =	sst s10  }
0x32: {  	s10 =	sld [smem:$0x3FB5];
	_ =	sdelay $0x3  }
0x33: {  	p0 =	seq.s32 s10, $0x1;
	s10 =	sld [smem:$0x3FB7];
	_ =	sdelay $0x3  }
0x34: {  	[smem:$0x3FB7] =	sst s10  }
0x35: {  	s10 =	sld [smem:$0x3FB6];
	_ =	sdelay $0x3  }
0x36: {  	p1 =	seq.s32 s10, $0x1;
	s10 =	sld [smem:$0x3FB7];
	_ =	sdelay $0x3  }
0x37: {  	[smem:$0x3FB7] =	sst s10  }
0x38: {  	s10 =	sld [smem:$0x3FB8]  }
0x39: {  	_ = 	snop;
	(pc) =	sbr.ind lr, $3  }
0x3a: {  	_ = 	snop  }
0x3b: {  	_ = 	snop  }
0x3c: {  	p2 =	seq.s32 s10, $0x1;
	s10 =	sld [smem:$0x3FB7]  }
0x3d: {  	_ =	shalt  }
0x3e: {  	_ =	shalt  }
0x3f: {  	_ =	shalt  }
0x40: {  	_ =	shalt  }
0x41: {  	_ =	shalt  }
0x42: {  	_ =	shalt  }
0x43: {  	_ =	shalt  }
0x44: {  	_ =	shalt  }
0x45: {  	_ =	shalt  }
0x46: {  	_ =	shalt  }
0x47: {  	_ =	shalt  }
0x48: {  	_ =	shalt  }
0x49: {  	_ =	shalt  }
0x4a: {  	_ =	shalt  }
0x4b: {  	_ =	shalt  }
0x4c: {  	_ =	shalt  }
0x4d: {  	_ =	shalt  }
0x4e: {  	_ =	shalt  }
0x4f: {  	_ =	shalt  }
0x50: {  	_ =	shalt  }
0x51: {  	_ =	shalt  }
0x52: {  	_ =	shalt  }
0x53: {  	_ =	shalt  }
0x54: {  	_ =	shalt  }
0x55: {  	_ =	shalt  }
0x56: {  	_ =	shalt  }
0x57: {  	_ =	shalt  }
0x58: {  	_ =	shalt  }
0x59: {  	_ =	shalt  }
0x5a: {  	_ =	shalt  }
0x5b: {  	_ =	shalt  }
0x5c: {  	_ =	shalt  }
0x5d: {  	_ =	shalt  }
0x5e: {  	_ =	shalt  }
0x5f: {  	_ =	shalt  }
0x60: {  	_ =	shalt  }
0x61: {  	_ =	shalt  }
0x62: {  	_ =	shalt  }
0x63: {  	_ =	shalt  }
0x64: {  	_ =	shalt  }
0x65: {  	_ =	shalt  }
0x66: {  	_ =	shalt  }
0x67: {  	_ =	shalt  }
0x68: {  	_ =	shalt  }
0x69: {  	_ =	shalt  }
0x6a: {  	_ =	shalt  }
0x6b: {  	_ =	shalt  }
0x6c: {  	_ =	shalt  }
0x6d: {  	_ =	shalt  }
0x6e: {  	_ =	shalt  }
0x6f: {  	_ =	shalt  }
0x70: {  	_ =	shalt  }
0x71: {  	_ =	shalt  }
0x72: {  	_ =	shalt  }
0x73: {  	_ =	shalt  }
0x74: {  	_ =	shalt  }
0x75: {  	_ =	shalt  }
0x76: {  	_ =	shalt  }
0x77: {  	_ =	shalt  }
0x78: {  	_ =	shalt  }
0x79: {  	_ =	shalt  }
0x7a: {  	_ =	shalt  }
0x7b: {  	_ =	shalt  }
0x7c: {  	_ =	shalt  }
0x7d: {  	_ =	shalt  }
0x7e: {  	_ =	shalt  }
0x7f: {  	_ =	shalt  }
0x80: {  	_ =	shalt  }
0x81: {  	_ =	shalt  }
0x82: {  	_ =	shalt  }
0x83: {  	_ =	shalt  }
0x84: {  	_ =	shalt  }
0x85: {  	_ =	shalt  }
0x86: {  	_ =	shalt  }
0x87: {  	_ =	shalt  }
.Lfunc_end0:
.L_simem_size_0:
called_computation.1_lowered:
.L_overlay_start_0:
0x88: {  	s2 =	sld [smem:$0x3FD9]  }
0x89: {  	s3 =	sld [smem:$0x3FFE];
	_ =	sdelay $0x1  }
0x8a: {  	s1 =	srdreg.scid  }
0x8b: {  	s0 =	sand.u32 $0x1, s1  }
0x8c: {  	s17 =	sshll.u32 s0, $0xA;
	s2 =	sadd.s32 s3, s2  }
0x8d: {  	s2 =	sadd.s32 s2, s17  }
0x8e: {  	[smem:$0x3FC3] =	sst s2  }
0x8f: {  	_ = 	snop  }
0x90: {  	s18 =	sld [smem:$0x3FC5];
	(tm) =	ssettm $0x1  }
0x91: {  	s19 =	sld [smem:$0x3FFB];
	_ =	sdelay $0x3  }
0x92: {  	_ =	strace s19  }
0x93: {  	s2 =	sld [smem:$0x3FFC];
	_ =	sdelay $0x3  }
0x94: {  	_ =	strace s2  }
0x95: {  	s2 =	sld [smem:$0x3FFD];
	_ =	sdelay $0x3  }
0x96: {  	_ =	strace s2  }
0x97: {  	_ =	strace $0x8FFFFFFF  }
0x98: {  	s20 =	sld [smem:$0x3FDB];
	_ =	sdelay $0x1  }
0x99: {  	s4 =	simm.s32 $_scs_section_size  }
0x9a: {  	s5 =	simm.s32 $_size__tile_overlayer_lowered;
	s6 =	simm.s32 $_tile_overlayer_lowered  }
0x9b: {  	s7 =	simm.s32 $0x1BFF;
	s21 =	sshll.u32 s6, $0x1;
	s4 =	sadd.s32 s4, s20  }
0x9c: {  	s22 =	simm.s32 $0x0;
	s5 =	sshll.u32 s5, $0x1;
	s6 =	sadd.s32 s21, s4  }
0x9d: {  	[timem:s22], [sflag:s7] =	dma.local [hbm:s6], s5  }
0x9e: {  	_ =	swait.ge [sflag:s7], s5  }
0x9f: {  	s5 =	ssub.s32 $0x0, s5;
	[sflag:s7] =	ssyncset.done $0x0  }
0xa0: {  	[sflag:s7] =	ssyncadd.s32 s5;
	_ =	sdelay $0x1  }
0xa1: {  	s23 =	simm.s32 $0x1B8B  }
0xa2: {  	_ =	swait.ge [sflag:s23], $0x1  }
0xa3: {  	[sflag:s23] =	ssyncset.done $0x0  }
0xa4: {  	[sflag:s23] =	ssyncadd.s32 $0xFFFFFFFF  }
0xa5: {  	s5 =	sld [smem:$0x0]  }
0xa6: {  	s6 =	sand.u32 $0xFFFFFFFE, s1  }
0xa7: {  	p0 =	sne.s32 s1, s6  }
0xa8: {  	s6 =	sshll.u32 @p0 s6, $0xE  }
0xa9: {  	s6 =	sadd.s32 @p0 $0x11B8D, s6;
	s7 =	sshll.u32 @p0 s5, $0x11  }
0xaa: {  	s6 =	sor.u32 @p0 s7, s6  }
0xab: {  	[sflag:s6] =	ssyncadd.remote.s32 @p0 $0x1;
	_ =	sdelay $0x1  }
0xac: {  	s6 =	simm.s32 @p0 $0x1B8D  }
0xad: {  	_ =	swait.eq @p0 [sflag:s6], $0x1  }
0xae: {  	[sflag:s6] =	ssyncadd.s32 @p0 $0xFFFFFFFF  }
0xaf: {  	s7 =	sshll.u32 @!p0 s1, $0xE  }
0xb0: {  	s7 =	sor.u32 @!p0 $0x4000, s7;
	s6 =	simm.s32 @!p0 $0x1B8D  }
0xb1: {  	s5 =	sshll.u32 @!p0 s5, $0x11;
	s7 =	sadd.s32 @!p0 $0x11B8D, s7;
	_ =	swait.eq @!p0 [sflag:s6], $0x1  }
0xb2: {  	s5 =	sor.u32 @!p0 s5, s7;
	[sflag:s6] =	ssyncadd.s32 @!p0 $0xFFFFFFFF  }
0xb3: {  	s25 =	simm.s32 $0x1B8E;
	s24 =	sld [smem:$0x3FFE];
	[sflag:s5] =	ssyncadd.remote.s32 @!p0 $0x1  }
0xb4: {  	s26 =	simm.s32 $execute0_lowered;
	[smem:$0x3FD2] =	sst s25  }
0xb5: {  	s6 =	sshll.u32 s26, $0x1;
	_ =	strace $0x80000049;
	[dreg:$0x1] =	wrdreg $0xFFFFFFFF  }
0xb6: {  	s28 =	simm.s32 $_size_execute0_lowered;
	s4 =	sadd.s32 s4, s6;
	[dreg:$0x0] =	wrdreg $0x0  }
0xb7: {  	s6 =	sshll.u32 s28, $0x1;
	[dreg:$0x2] =	wrdreg s4  }
0xb8: {  	[dreg:$0x3] =	wrdreg s6  }
0xb9: {  	[dreg:$0x4] =	wrdreg $0xC0  }
0xba: {  	_ =	task [dreg:s22], $0x5FFFF  }
0xbb: {  	[dreg:$0x1] =	wrdreg $0xFFFFFFFF  }
0xbc: {  	[dreg:$0x0] =	wrdreg $0x60  }
0xbd: {  	[dreg:$0x2] =	wrdreg s18  }
0xbe: {  	[dreg:$0x3] =	wrdreg s24  }
0xbf: {  	[dreg:$0x4] =	wrdreg $0xA  }
0xc0: {  	_ =	task.clear_ibuf [dreg:s22], $0x5FFFF;
	_ =	strace $0x90000049  }
0xc1: {  	s29 =	simm.s32 $0xA;
	_ =	strace $0x8000004B  }
0xc2: {  	_ =	swait.ge [sflag:s29], $0x1  }
0xc3: {  	[sflag:s29] =	ssyncadd.s32 $0xFFFFFFFF  }
0xc4: {  	_ =	strace $0x9000004B  }
0xc5: {  	_ =	sfence  }
0xc6: {  	s30 =	sld [smem:$0x0];
	_ =	sdelay $0x2  }
0xc7: {  	s31 =	sshll.u32 s1, $0xD;
	s1 =	sshrl.u32 s1, $0x2  }
0xc8: {  	s4 =	sand.u32 $0x4000, s31;
	s1 =	sadd.s32 s1, s30  }
0xc9: {  	s0 =	sor.u32 s4, s0;
	s1 =	sshll.u32 s1, $0x11  }
0xca: {  	s0 =	sor.u32 s1, s0  }
0xcb: {  	s0 =	sadd.s32 $0x8F2B, s0  }
0xcc: {  	[sflag:s0] =	ssyncadd.remote.s32 $0x1  }
0xcd: {  	_ =	sfence.sel $0xFFFF  }
0xce: {  	[dreg:$0x0] =	wrdreg $0xFFFFFFFF;
	(pc) =	sbr.abs _section_cstart, $3  }
0xcf: {  	[dreg:$0x1] =	wrdreg $0xFFFFFFFF  }
0xd0: {  	_ =	task.clear_ibuf [dreg:s22], $0x2FFFF;
	_ =	strace $0x9FFFFFFF  }
0xd1: {  	(tm) =	ssettm $0x7FFFFFFF  }
tec
execute0_lowered:
.L_overlay_start_1:
0x0: {  	(tag) =	ssettag $0x1  }
0x1: {  	s1 =	srdreg.scid  }
0x2: {  	s2 =	rddreg [dreg:$0x0];
	s0 =	stileid.u32  }
0x3: {  	s11 =	rddreg [dreg:$0x1];
	s5 =	simm.s32 $0x2;
	s1 =	sshll.u32 s1, $0xA  }
0x4: {  	s9 =	simm.s32 $0x3;
	s3 =	sshll.u32 s0, $0xB;
	s4 =	sand.u32 $0x400, s1  }
0x5: {  	s13 =	simm.s32 $0x0;
	s15 =	simm.s32 $0x0;
	s3 =	sor.u32 s3, s4  }
0x6: {  	s14 =	simm.s32 $0x0;
	s1 =	rddreg [dreg:$0x2];
	s4 =	sshrl.u32 s3, $0x3  }
0x7: {  	_ =	strace $0x8000004A;
	s6 =	ssub.s32 $0x8000, s3;
	s8 =	sadd.s32 s4, s11  }
0x8: {  	s4 =	simm.s32 $0x1;
	s7 =	sand.u32 $0x7C00, s6;
	s10 =	sshrl.u32 s6, $0xF  }
.Ltmp0:
0x9: {  	s6 =	sadd.s32 $0x12000, s11;
	[sflag:s4] =	ssyncpa.u1 $0x0;
	(pc) =	sbr.rel .LBB2_1-.Ltmp0, $4  }
0xa: {  	p0 =	sne.s32 s7, $0x0;
	s7 =	simm.s32 $0x1;
	s8 =	sadd.s32 $0x1000, s8  }
0xb: {  	[sflag:s5] =	ssyncpa.u1 $0x0;
	s7 =	simm.s32 @!p0 $0x0;
	p0 =	por $0x0, $0x0  }
0xc: {  	[sflag:s9] =	ssyncpa.u1 $0x0;
	s7 =	sadd.s32 s7, s10;
	s9 =	sadd.s32 $0x1A000, s11  }
0xd: {  	vm0 =	vmmov $0xffff;
	s10 =	sadd.s32 $0x22000, s11;
	s11 =	sadd.s32 $0x2A000, s11;
	s12 =	sadd.s32 $0x1, s7  }
.LBB2_4:
0xe: {  	_ =	sdelay $0x3  }
0xf: {  	[tilespmem:s21], [sflag:$0x1] =	stream.indirect_vreg.gather [hbm4b:s2+s13], $0x1, v0, vm0, $0x4038;
	[tilespmem:$0x10800] =	vst v63  }
0x10: {  	s18 =	sshll.u32 s15, $0x3  }
0x11: {  	s24 =	sand.u32 $0x78, s15;
	s18 =	sand.u32 $0x7FFFFC00, s18  }
0x12: {  	_ =	swait.ge [sflag:s4], $0x8000;
	s15 =	sor.u32 s24, s18  }
0x13: {  	[sflag:s4] =	ssyncset.done $0x0;
	s15 =	sshrl.u32 s15, $0x3  }
0x14: {  	[sflag:s4] =	ssyncadd.s32 $0xFFFF8000;
	s25 =	sadd.s32 s6, s15  }
0x15: {  	[hbm:s25] =	stream.linear.scatter [tilespmem:s17], [sflag:$0x3], $0x2000, $0x38;
	[tilespmem:$0x10800] =	vst v63  }
0x16: {  	s26 =	sadd.s32 $0x2800, s16;
	s28 =	sadd.s32 s15, s9  }
0x17: {  	[hbm:s28] =	stream.linear.scatter [tilespmem:s26], [sflag:$0x3], $0x2000, $0x38;
	[tilespmem:$0x10800] =	vst v63  }
0x18: {  	s29 =	sadd.s32 $0x4800, s16;
	s30 =	sadd.s32 s15, s10  }
0x19: {  	[hbm:s30] =	stream.linear.scatter [tilespmem:s29], [sflag:$0x3], $0x2000, $0x38;
	[tilespmem:$0x10800] =	vst v63  }
0x1a: {  	s31 =	sadd.s32 $0x6800, s16;
	s15 =	sadd.s32 s15, s11  }
0x1b: {  	[hbm:s15] =	stream.linear.scatter [tilespmem:s31], [sflag:$0x3], $0x2000, $0x38;
	[tilespmem:$0x10800] =	vst v63  }
.LBB2_5:
0x1c: {  	p2 =	sne.s32 s14, s12  }
.Ltmp1:
0x1d: {  	p1 =	slt.u32 s14, $0x2;
	(pc) =	sbr.rel @!p2 .LBB2_6-.Ltmp1, $4  }
0x1e: {  	s15 =	simm.s32 @!p1 $0x3  }
0x1f: {  	_ =	swait.ge @!p1 [sflag:s15], $0x8000  }
0x20: {  	s16 =	sadd.s32 $0x1, s14;
	p0 =	por !p0, !p0;
	[sflag:s15] =	ssyncset.done @!p1 $0x0  }
0x21: {  	s14 =	smov.u32 s16;
	[sflag:s15] =	ssyncadd.s32 @!p1 $0xFFFF8000;
	s15 =	smov.u32 s3  }
.LBB2_1:
0x22: {  	p1 =	sge.u32 s14, s7  }
0x23: {  	s16 =	sxor.u32 @!p1 $0xFFFFFFFF, s14  }
0x24: {  	s16 =	sshll.u32 @!p1 s16, $0xA  }
0x25: {  	s31 =	sadd.s32 $0xFFFFFFFF, s14;
	s17 =	simm.s32 @!p1 $0x0;
	s16 =	sand.u32 @!p1 $0x400, s16  }
0x26: {  	[tilespmem:s16], [sflag:$0x2] =	stream.linear.gather @!p1 [hbm4b:s8+s17], $0x400, $0x38;
	[tilespmem:$0x10800] =	vst v63  }
0x27: {  	p1 =	sge.u32 s31, s7  }
.Ltmp2:
0x28: {  	_ = 	snop;
	(pc) =	sbr.rel @p1 .LBB2_5-.Ltmp2, $1  }
0x29: {  	_ =	sdelay $0x3  }
0x2a: {  	s16 =	simm.s32 $0x1;
	_ =	swait.ge [sflag:s5], $0x400  }
0x2b: {  	s16 =	simm.s32 @!p0 $0x0;
	[sflag:s5] =	ssyncset.done $0x0  }
0x2c: {  	s19 =	sshll.u32 s16, $0xA;
	[sflag:s5] =	ssyncadd.s32 $0xFFFFFC00  }
0x2d: {  	v0 =	vld.msk [tilespmem:s19+$0x0 ss:$0x1], $0xffff;
	_ =	sdelay $0x4  }
0x2e: {  	vm1 =	vgt.s32 v0, $0x0  }
0x2f: {  	v0 =	vnsel vm1, $0x0, v0  }
0x30: {  	v0 =	vmin.u32 v0, $0xF423F  }
0x31: {  	v1 =	vshll.u32 v0, $0x3  }
0x32: {  	v0 =	vand.u32 $0x7F, v0;
	v1 =	vand.u32 $0x7FFC00, v1  }
0x33: {  	s22 =	sshll.u32 s14, $0xF;
	v0 =	vor.u32 v0, v1  }
0x34: {  	s18 =	simm.s32 $0x0;
	s16 =	sand.u32 $0x8000, s22  }
0x35: {  	s20 =	sand.u32 $0x1C00, s18;
	s17 =	sor.u32 $0x800, s16  }
0x36: {  	s21 =	sand.u32 $0x70, s18;
	(ifvalue) =	ssetifvalue $0x7FFFFFFF;
	s20 =	sadd.s32 s20, s17;
	v1 =	vor.u32 $0x80, v0  }
0x37: {  	(ifvalue) =	ssetifvalue $0x7FFFFFFF;
	s20 =	sadd.s32 s21, s20  }
0x38: {  	[tilespmem:s20], [sflag:$0x1] =	stream.indirect_vreg.gather [hbm4b:s2+s13], $0x1, v0, vm0, $0x4038;
	[tilespmem:$0x10800] =	vst v63  }
0x39: {  	v2 =	vor.u32 $0x100, v0;
	(ifvalue) =	ssetifvalue $0x7FFFFFFF  }
0x3a: {  	s21 =	sadd.s32 $0x80, s20;
	(ifvalue) =	ssetifvalue $0x7FFFFFFF  }
0x3b: {  	[tilespmem:s21], [sflag:$0x1] =	stream.indirect_vreg.gather [hbm4b:s2+s13], $0x1, v1, vm0, $0x4038;
	[tilespmem:$0x10800] =	vst v63  }
0x3c: {  	v1 =	vor.u32 $0x180, v0;
	(ifvalue) =	ssetifvalue $0x7FFFFFFF  }
0x3d: {  	s23 =	sadd.s32 $0x100, s20;
	(ifvalue) =	ssetifvalue $0x7FFFFFFF  }
0x3e: {  	[tilespmem:s23], [sflag:$0x1] =	stream.indirect_vreg.gather [hbm4b:s2+s13], $0x1, v2, vm0, $0x4038;
	[tilespmem:$0x10800] =	vst v63  }
0x3f: {  	v2 =	vor.u32 $0x200, v0;
	(ifvalue) =	ssetifvalue $0x7FFFFFFF  }
0x40: {  	s24 =	sadd.s32 $0x180, s20;
	(ifvalue) =	ssetifvalue $0x7FFFFFFF  }
0x41: {  	[tilespmem:s24], [sflag:$0x1] =	stream.indirect_vreg.gather [hbm4b:s2+s13], $0x1, v1, vm0, $0x4038;
	[tilespmem:$0x10800] =	vst v63  }
0x42: {  	(ifvalue) =	ssetifvalue $0x7FFFFFFF;
	v1 =	vor.u32 $0x280, v0  }
0x43: {  	s25 =	sadd.s32 $0x200, s20;
	(ifvalue) =	ssetifvalue $0x7FFFFFFF  }
0x44: {  	[tilespmem:s25], [sflag:$0x1] =	stream.indirect_vreg.gather [hbm4b:s2+s13], $0x1, v2, vm0, $0x4038;
	[tilespmem:$0x10800] =	vst v63  }
0x45: {  	(ifvalue) =	ssetifvalue $0x7FFFFFFF;
	v2 =	vor.u32 $0x300, v0  }
0x46: {  	s26 =	sadd.s32 $0x280, s20;
	(ifvalue) =	ssetifvalue $0x7FFFFFFF  }
0x47: {  	[tilespmem:s26], [sflag:$0x1] =	stream.indirect_vreg.gather [hbm4b:s2+s13], $0x1, v1, vm0, $0x4038;
	[tilespmem:$0x10800] =	vst v63  }
0x48: {  	(ifvalue) =	ssetifvalue $0x7FFFFFFF;
	v1 =	vor.u32 $0x380, v0  }
0x49: {  	s18 =	sor.u32 s18, s18;
	s28 =	sadd.s32 $0x300, s20;
	(ifvalue) =	ssetifvalue $0x7FFFFFFF  }
0x4a: {  	[tilespmem:s28], [sflag:$0x1] =	stream.indirect_vreg.gather [hbm4b:s2+s13], $0x1, v2, vm0, $0x4038;
	[tilespmem:$0x10800] =	vst v63  }
0x4b: {  	s18 =	sor.u32 $0x380, s18;
	(ifvalue) =	ssetifvalue $0x7FFFFFFF;
	v2 =	vadd.s32 $0x7A1400, v0  }
0x4c: {  	s18 =	sadd.s32 s18, s17;
	(ifvalue) =	ssetifvalue $0x7FFFFFFF  }
0x4d: {  	[tilespmem:s18], [sflag:$0x1] =	stream.indirect_vreg.gather [hbm4b:s2+s13], $0x1, v1, vm0, $0x4038;
	[tilespmem:$0x10800] =	vst v63  }
0x4e: {  	(ifvalue) =	ssetifvalue $0x7FFFFFFF;
	v1 =	vadd.s32 $0x7A1480, v0  }
0x4f: {  	s29 =	sadd.s32 $0x2000, s20;
	(ifvalue) =	ssetifvalue $0x7FFFFFFF  }
0x50: {  	[tilespmem:s29], [sflag:$0x1] =	stream.indirect_vreg.gather [hbm4b:s2+s13], $0x1, v2, vm0, $0x4038;
	[tilespmem:$0x10800] =	vst v63  }
0x51: {  	(ifvalue) =	ssetifvalue $0x7FFFFFFF;
	v2 =	vadd.s32 $0x7A1500, v0  }
0x52: {  	s30 =	sadd.s32 $0x2080, s20;
	(ifvalue) =	ssetifvalue $0x7FFFFFFF  }
0x53: {  	[tilespmem:s30], [sflag:$0x1] =	stream.indirect_vreg.gather [hbm4b:s2+s13], $0x1, v1, vm0, $0x4038;
	[tilespmem:$0x10800] =	vst v63  }
0x54: {  	(ifvalue) =	ssetifvalue $0x7FFFFFFF;
	v1 =	vadd.s32 $0x7A1580, v0  }
0x55: {  	s31 =	sadd.s32 $0x2100, s20;
	(ifvalue) =	ssetifvalue $0x7FFFFFFF  }
0x56: {  	[tilespmem:s31], [sflag:$0x1] =	stream.indirect_vreg.gather [hbm4b:s2+s13], $0x1, v2, vm0, $0x4038;
	[tilespmem:$0x10800] =	vst v63  }
0x57: {  	(ifvalue) =	ssetifvalue $0x7FFFFFFF;
	v2 =	vadd.s32 $0x7A1600, v0  }
0x58: {  	s21 =	sadd.s32 $0x2180, s20;
	(ifvalue) =	ssetifvalue $0x7FFFFFFF  }
0x59: {  	[tilespmem:s21], [sflag:$0x1] =	stream.indirect_vreg.gather [hbm4b:s2+s13], $0x1, v1, vm0, $0x4038;
	[tilespmem:$0x10800] =	vst v63  }
0x5a: {  	(ifvalue) =	ssetifvalue $0x7FFFFFFF;
	v1 =	vadd.s32 $0x7A1680, v0  }
0x5b: {  	s22 =	sadd.s32 $0x2200, s20;
	(ifvalue) =	ssetifvalue $0x7FFFFFFF  }
0x5c: {  	[tilespmem:s22], [sflag:$0x1] =	stream.indirect_vreg.gather [hbm4b:s2+s13], $0x1, v2, vm0, $0x4038;
	[tilespmem:$0x10800] =	vst v63  }
0x5d: {  	(ifvalue) =	ssetifvalue $0x7FFFFFFF;
	v2 =	vadd.s32 $0x7A1700, v0  }
0x5e: {  	s23 =	sadd.s32 $0x2280, s20;
	(ifvalue) =	ssetifvalue $0x7FFFFFFF  }
0x5f: {  	[tilespmem:s23], [sflag:$0x1] =	stream.indirect_vreg.gather [hbm4b:s2+s13], $0x1, v1, vm0, $0x4038;
	[tilespmem:$0x10800] =	vst v63  }
0x60: {  	(ifvalue) =	ssetifvalue $0x7FFFFFFF;
	v1 =	vadd.s32 $0x7A1780, v0  }
0x61: {  	s24 =	sadd.s32 $0x2300, s20;
	(ifvalue) =	ssetifvalue $0x7FFFFFFF  }
0x62: {  	[tilespmem:s24], [sflag:$0x1] =	stream.indirect_vreg.gather [hbm4b:s2+s13], $0x1, v2, vm0, $0x4038;
	[tilespmem:$0x10800] =	vst v63  }
0x63: {  	(ifvalue) =	ssetifvalue $0x7FFFFFFF;
	v2 =	vadd.s32 $0xF42800, v0  }
0x64: {  	s25 =	sadd.s32 $0x2380, s20;
	(ifvalue) =	ssetifvalue $0x7FFFFFFF  }
0x65: {  	[tilespmem:s25], [sflag:$0x1] =	stream.indirect_vreg.gather [hbm4b:s2+s13], $0x1, v1, vm0, $0x4038;
	[tilespmem:$0x10800] =	vst v63  }
0x66: {  	(ifvalue) =	ssetifvalue $0x7FFFFFFF;
	v1 =	vadd.s32 $0xF42880, v0  }
0x67: {  	s26 =	sadd.s32 $0x4000, s20;
	(ifvalue) =	ssetifvalue $0x7FFFFFFF  }
0x68: {  	[tilespmem:s26], [sflag:$0x1] =	stream.indirect_vreg.gather [hbm4b:s2+s13], $0x1, v2, vm0, $0x4038;
	[tilespmem:$0x10800] =	vst v63  }
0x69: {  	(ifvalue) =	ssetifvalue $0x7FFFFFFF;
	v2 =	vadd.s32 $0xF42900, v0  }
0x6a: {  	s28 =	sadd.s32 $0x4080, s20;
	(ifvalue) =	ssetifvalue $0x7FFFFFFF  }
0x6b: {  	[tilespmem:s28], [sflag:$0x1] =	stream.indirect_vreg.gather [hbm4b:s2+s13], $0x1, v1, vm0, $0x4038;
	[tilespmem:$0x10800] =	vst v63  }
0x6c: {  	(ifvalue) =	ssetifvalue $0x7FFFFFFF;
	v1 =	vadd.s32 $0xF42980, v0  }
0x6d: {  	s29 =	sadd.s32 $0x4100, s20;
	(ifvalue) =	ssetifvalue $0x7FFFFFFF  }
0x6e: {  	[tilespmem:s29], [sflag:$0x1] =	stream.indirect_vreg.gather [hbm4b:s2+s13], $0x1, v2, vm0, $0x4038;
	[tilespmem:$0x10800] =	vst v63  }
0x6f: {  	(ifvalue) =	ssetifvalue $0x7FFFFFFF;
	v2 =	vadd.s32 $0xF42A00, v0  }
0x70: {  	s30 =	sadd.s32 $0x4180, s20;
	(ifvalue) =	ssetifvalue $0x7FFFFFFF  }
0x71: {  	[tilespmem:s30], [sflag:$0x1] =	stream.indirect_vreg.gather [hbm4b:s2+s13], $0x1, v1, vm0, $0x4038;
	[tilespmem:$0x10800] =	vst v63  }
0x72: {  	(ifvalue) =	ssetifvalue $0x7FFFFFFF;
	v1 =	vadd.s32 $0xF42A80, v0  }
0x73: {  	s31 =	sadd.s32 $0x4200, s20;
	(ifvalue) =	ssetifvalue $0x7FFFFFFF  }
0x74: {  	[tilespmem:s31], [sflag:$0x1] =	stream.indirect_vreg.gather [hbm4b:s2+s13], $0x1, v2, vm0, $0x4038;
	[tilespmem:$0x10800] =	vst v63  }
0x75: {  	(ifvalue) =	ssetifvalue $0x7FFFFFFF;
	v2 =	vadd.s32 $0xF42B00, v0  }
0x76: {  	s21 =	sadd.s32 $0x4280, s20;
	(ifvalue) =	ssetifvalue $0x7FFFFFFF  }
0x77: {  	[tilespmem:s21], [sflag:$0x1] =	stream.indirect_vreg.gather [hbm4b:s2+s13], $0x1, v1, vm0, $0x4038;
	[tilespmem:$0x10800] =	vst v63  }
0x78: {  	(ifvalue) =	ssetifvalue $0x7FFFFFFF;
	v1 =	vadd.s32 $0xF42B80, v0  }
0x79: {  	s22 =	sadd.s32 $0x4300, s20;
	(ifvalue) =	ssetifvalue $0x7FFFFFFF  }
0x7a: {  	[tilespmem:s22], [sflag:$0x1] =	stream.indirect_vreg.gather [hbm4b:s2+s13], $0x1, v2, vm0, $0x4038;
	[tilespmem:$0x10800] =	vst v63  }
0x7b: {  	(ifvalue) =	ssetifvalue $0x7FFFFFFF;
	v2 =	vadd.s32 $0x16E3C00, v0  }
0x7c: {  	s23 =	sadd.s32 $0x4380, s20;
	(ifvalue) =	ssetifvalue $0x7FFFFFFF  }
0x7d: {  	[tilespmem:s23], [sflag:$0x1] =	stream.indirect_vreg.gather [hbm4b:s2+s13], $0x1, v1, vm0, $0x4038;
	[tilespmem:$0x10800] =	vst v63  }
0x7e: {  	(ifvalue) =	ssetifvalue $0x7FFFFFFF;
	v1 =	vadd.s32 $0x16E3C80, v0  }
0x7f: {  	s24 =	sadd.s32 $0x6000, s20;
	(ifvalue) =	ssetifvalue $0x7FFFFFFF  }
0x80: {  	[tilespmem:s24], [sflag:$0x1] =	stream.indirect_vreg.gather [hbm4b:s2+s13], $0x1, v2, vm0, $0x4038;
	[tilespmem:$0x10800] =	vst v63  }
0x81: {  	(ifvalue) =	ssetifvalue $0x7FFFFFFF;
	v2 =	vadd.s32 $0x16E3D00, v0  }
0x82: {  	s25 =	sadd.s32 $0x6080, s20;
	(ifvalue) =	ssetifvalue $0x7FFFFFFF  }
0x83: {  	[tilespmem:s25], [sflag:$0x1] =	stream.indirect_vreg.gather [hbm4b:s2+s13], $0x1, v1, vm0, $0x4038;
	[tilespmem:$0x10800] =	vst v63  }
0x84: {  	(ifvalue) =	ssetifvalue $0x7FFFFFFF;
	v1 =	vadd.s32 $0x16E3D80, v0  }
0x85: {  	s26 =	sadd.s32 $0x6100, s20;
	(ifvalue) =	ssetifvalue $0x7FFFFFFF  }
0x86: {  	[tilespmem:s26], [sflag:$0x1] =	stream.indirect_vreg.gather [hbm4b:s2+s13], $0x1, v2, vm0, $0x4038;
	[tilespmem:$0x10800] =	vst v63  }
0x87: {  	(ifvalue) =	ssetifvalue $0x7FFFFFFF;
	v2 =	vadd.s32 $0x16E3E00, v0  }
0x88: {  	s28 =	sadd.s32 $0x6180, s20;
	(ifvalue) =	ssetifvalue $0x7FFFFFFF  }
0x89: {  	[tilespmem:s28], [sflag:$0x1] =	stream.indirect_vreg.gather [hbm4b:s2+s13], $0x1, v1, vm0, $0x4038;
	[tilespmem:$0x10800] =	vst v63  }
0x8a: {  	(ifvalue) =	ssetifvalue $0x7FFFFFFF;
	v1 =	vadd.s32 $0x16E3E80, v0  }
0x8b: {  	s29 =	sadd.s32 $0x6200, s20;
	(ifvalue) =	ssetifvalue $0x7FFFFFFF  }
0x8c: {  	[tilespmem:s29], [sflag:$0x1] =	stream.indirect_vreg.gather [hbm4b:s2+s13], $0x1, v2, vm0, $0x4038;
	[tilespmem:$0x10800] =	vst v63  }
0x8d: {  	(ifvalue) =	ssetifvalue $0x7FFFFFFF;
	v2 =	vadd.s32 $0x16E3F00, v0  }
0x8e: {  	s30 =	sadd.s32 $0x6280, s20;
	(ifvalue) =	ssetifvalue $0x7FFFFFFF  }
0x8f: {  	[tilespmem:s30], [sflag:$0x1] =	stream.indirect_vreg.gather [hbm4b:s2+s13], $0x1, v1, vm0, $0x4038;
	[tilespmem:$0x10800] =	vst v63  }
0x90: {  	v0 =	vadd.s32 $0x16E3F80, v0;
	(ifvalue) =	ssetifvalue $0x7FFFFFFF  }
0x91: {  	s31 =	sadd.s32 $0x6300, s20;
	(ifvalue) =	ssetifvalue $0x7FFFFFFF  }
0x92: {  	[tilespmem:s31], [sflag:$0x1] =	stream.indirect_vreg.gather [hbm4b:s2+s13], $0x1, v2, vm0, $0x4038;
	[tilespmem:$0x10800] =	vst v63  }
0x93: {  	s19 =	sadd.s32 $0x10, s19;
	s18 =	simm.s32 $0x10;
	(ifvalue) =	ssetifvalue $0x7FFFFFFF  }
0x94: {  	s21 =	sadd.s32 $0x6380, s20;
	s20 =	simm.s32 $0x80;
	(ifvalue) =	ssetifvalue $0x7FFFFFFF  }
.LBB2_3:
0x95: {  	[tilespmem:s21], [sflag:$0x1] =	stream.indirect_vreg.gather [hbm4b:s2+s13], $0x1, v0, vm0, $0x4038;
	[tilespmem:$0x10800] =	vst v63  }
0x96: {  	p1 =	sne.s32 s18, $0x3F0;
	s22 =	smov.u32 s18;
	s18 =	sadd.s32 $0x10, s18;
	v0 =	vld.msk [tilespmem:s19+$0x0 ss:$0x1], $0xffff  }
0x97: {  	(ifvalue) =	ssetifvalue $0x7FFFFFFF;
	_ =	sdelay $0x4  }
0x98: {  	vm1 =	vgt.s32 v0, $0x0  }
0x99: {  	v0 =	vnsel vm1, $0x0, v0  }
0x9a: {  	v0 =	vmin.u32 v0, $0xF423F  }
0x9b: {  	v1 =	vshll.u32 v0, $0x3  }
0x9c: {  	v0 =	vand.u32 $0x7F, v0;
	v1 =	vand.u32 $0x7FFC00, v1  }
0x9d: {  	v0 =	vor.u32 v0, v1;
	_ =	sdelay $0x1  }
0x9e: {  	s21 =	sand.u32 $0x1C00, s20  }
0x9f: {  	s23 =	sand.u32 $0x70, s22;
	s21 =	sadd.s32 s21, s17;
	v1 =	vor.u32 $0x80, v0  }
0xa0: {  	s21 =	sadd.s32 s23, s21;
	(ifvalue) =	ssetifvalue $0x7FFFFFFF  }
0xa1: {  	[tilespmem:s21], [sflag:$0x1] =	stream.indirect_vreg.gather [hbm4b:s2+s13], $0x1, v0, vm0, $0x4038;
	[tilespmem:$0x10800] =	vst v63  }
0xa2: {  	v2 =	vor.u32 $0x100, v0;
	(ifvalue) =	ssetifvalue $0x7FFFFFFF  }
0xa3: {  	s23 =	sadd.s32 $0x80, s21;
	(ifvalue) =	ssetifvalue $0x7FFFFFFF  }
0xa4: {  	[tilespmem:s23], [sflag:$0x1] =	stream.indirect_vreg.gather [hbm4b:s2+s13], $0x1, v1, vm0, $0x4038;
	[tilespmem:$0x10800] =	vst v63  }
0xa5: {  	v1 =	vor.u32 $0x180, v0;
	(ifvalue) =	ssetifvalue $0x7FFFFFFF  }
0xa6: {  	s23 =	sadd.s32 $0x100, s21;
	(ifvalue) =	ssetifvalue $0x7FFFFFFF  }
0xa7: {  	[tilespmem:s23], [sflag:$0x1] =	stream.indirect_vreg.gather [hbm4b:s2+s13], $0x1, v2, vm0, $0x4038;
	[tilespmem:$0x10800] =	vst v63  }
0xa8: {  	v2 =	vor.u32 $0x200, v0;
	(ifvalue) =	ssetifvalue $0x7FFFFFFF  }
0xa9: {  	s23 =	sadd.s32 $0x180, s21;
	(ifvalue) =	ssetifvalue $0x7FFFFFFF  }
0xaa: {  	[tilespmem:s23], [sflag:$0x1] =	stream.indirect_vreg.gather [hbm4b:s2+s13], $0x1, v1, vm0, $0x4038;
	[tilespmem:$0x10800] =	vst v63  }
0xab: {  	v1 =	vor.u32 $0x280, v0;
	(ifvalue) =	ssetifvalue $0x7FFFFFFF  }
0xac: {  	s23 =	sadd.s32 $0x200, s21;
	(ifvalue) =	ssetifvalue $0x7FFFFFFF  }
0xad: {  	[tilespmem:s23], [sflag:$0x1] =	stream.indirect_vreg.gather [hbm4b:s2+s13], $0x1, v2, vm0, $0x4038;
	[tilespmem:$0x10800] =	vst v63  }
0xae: {  	v2 =	vor.u32 $0x300, v0;
	(ifvalue) =	ssetifvalue $0x7FFFFFFF  }
0xaf: {  	s23 =	sadd.s32 $0x280, s21;
	(ifvalue) =	ssetifvalue $0x7FFFFFFF  }
0xb0: {  	[tilespmem:s23], [sflag:$0x1] =	stream.indirect_vreg.gather [hbm4b:s2+s13], $0x1, v1, vm0, $0x4038;
	[tilespmem:$0x10800] =	vst v63  }
0xb1: {  	v1 =	vor.u32 $0x380, v0;
	(ifvalue) =	ssetifvalue $0x7FFFFFFF  }
0xb2: {  	s22 =	sor.u32 s20, s22;
	s23 =	sadd.s32 $0x300, s21;
	(ifvalue) =	ssetifvalue $0x7FFFFFFF  }
0xb3: {  	[tilespmem:s23], [sflag:$0x1] =	stream.indirect_vreg.gather [hbm4b:s2+s13], $0x1, v2, vm0, $0x4038;
	[tilespmem:$0x10800] =	vst v63  }
0xb4: {  	s22 =	sor.u32 $0x380, s22;
	v2 =	vadd.s32 $0x7A1400, v0;
	(ifvalue) =	ssetifvalue $0x7FFFFFFF  }
0xb5: {  	s22 =	sadd.s32 s22, s17;
	(ifvalue) =	ssetifvalue $0x7FFFFFFF  }
0xb6: {  	[tilespmem:s22], [sflag:$0x1] =	stream.indirect_vreg.gather [hbm4b:s2+s13], $0x1, v1, vm0, $0x4038;
	[tilespmem:$0x10800] =	vst v63  }
0xb7: {  	v1 =	vadd.s32 $0x7A1480, v0;
	(ifvalue) =	ssetifvalue $0x7FFFFFFF  }
0xb8: {  	s22 =	sadd.s32 $0x2000, s21;
	(ifvalue) =	ssetifvalue $0x7FFFFFFF  }
0xb9: {  	[tilespmem:s22], [sflag:$0x1] =	stream.indirect_vreg.gather [hbm4b:s2+s13], $0x1, v2, vm0, $0x4038;
	[tilespmem:$0x10800] =	vst v63  }
0xba: {  	v2 =	vadd.s32 $0x7A1500, v0;
	(ifvalue) =	ssetifvalue $0x7FFFFFFF  }
0xbb: {  	s22 =	sadd.s32 $0x2080, s21;
	(ifvalue) =	ssetifvalue $0x7FFFFFFF  }
0xbc: {  	[tilespmem:s22], [sflag:$0x1] =	stream.indirect_vreg.gather [hbm4b:s2+s13], $0x1, v1, vm0, $0x4038;
	[tilespmem:$0x10800] =	vst v63  }
0xbd: {  	v1 =	vadd.s32 $0x7A1580, v0;
	(ifvalue) =	ssetifvalue $0x7FFFFFFF  }
0xbe: {  	s22 =	sadd.s32 $0x2100, s21;
	(ifvalue) =	ssetifvalue $0x7FFFFFFF  }
0xbf: {  	[tilespmem:s22], [sflag:$0x1] =	stream.indirect_vreg.gather [hbm4b:s2+s13], $0x1, v2, vm0, $0x4038;
	[tilespmem:$0x10800] =	vst v63  }
0xc0: {  	v2 =	vadd.s32 $0x7A1600, v0;
	(ifvalue) =	ssetifvalue $0x7FFFFFFF  }
0xc1: {  	s22 =	sadd.s32 $0x2180, s21;
	(ifvalue) =	ssetifvalue $0x7FFFFFFF  }
0xc2: {  	[tilespmem:s22], [sflag:$0x1] =	stream.indirect_vreg.gather [hbm4b:s2+s13], $0x1, v1, vm0, $0x4038;
	[tilespmem:$0x10800] =	vst v63  }
0xc3: {  	v1 =	vadd.s32 $0x7A1680, v0;
	(ifvalue) =	ssetifvalue $0x7FFFFFFF  }
0xc4: {  	s22 =	sadd.s32 $0x2200, s21;
	(ifvalue) =	ssetifvalue $0x7FFFFFFF  }
0xc5: {  	[tilespmem:s22], [sflag:$0x1] =	stream.indirect_vreg.gather [hbm4b:s2+s13], $0x1, v2, vm0, $0x4038;
	[tilespmem:$0x10800] =	vst v63  }
0xc6: {  	v2 =	vadd.s32 $0x7A1700, v0;
	(ifvalue) =	ssetifvalue $0x7FFFFFFF  }
0xc7: {  	s22 =	sadd.s32 $0x2280, s21;
	(ifvalue) =	ssetifvalue $0x7FFFFFFF  }
0xc8: {  	[tilespmem:s22], [sflag:$0x1] =	stream.indirect_vreg.gather [hbm4b:s2+s13], $0x1, v1, vm0, $0x4038;
	[tilespmem:$0x10800] =	vst v63  }
0xc9: {  	v1 =	vadd.s32 $0x7A1780, v0;
	(ifvalue) =	ssetifvalue $0x7FFFFFFF  }
0xca: {  	s22 =	sadd.s32 $0x2300, s21;
	(ifvalue) =	ssetifvalue $0x7FFFFFFF  }
0xcb: {  	[tilespmem:s22], [sflag:$0x1] =	stream.indirect_vreg.gather [hbm4b:s2+s13], $0x1, v2, vm0, $0x4038;
	[tilespmem:$0x10800] =	vst v63  }
0xcc: {  	v2 =	vadd.s32 $0xF42800, v0;
	(ifvalue) =	ssetifvalue $0x7FFFFFFF  }
0xcd: {  	s22 =	sadd.s32 $0x2380, s21;
	(ifvalue) =	ssetifvalue $0x7FFFFFFF  }
0xce: {  	[tilespmem:s22], [sflag:$0x1] =	stream.indirect_vreg.gather [hbm4b:s2+s13], $0x1, v1, vm0, $0x4038;
	[tilespmem:$0x10800] =	vst v63  }
0xcf: {  	v1 =	vadd.s32 $0xF42880, v0;
	(ifvalue) =	ssetifvalue $0x7FFFFFFF  }
0xd0: {  	s22 =	sadd.s32 $0x4000, s21;
	(ifvalue) =	ssetifvalue $0x7FFFFFFF  }
0xd1: {  	[tilespmem:s22], [sflag:$0x1] =	stream.indirect_vreg.gather [hbm4b:s2+s13], $0x1, v2, vm0, $0x4038;
	[tilespmem:$0x10800] =	vst v63  }
0xd2: {  	v2 =	vadd.s32 $0xF42900, v0;
	(ifvalue) =	ssetifvalue $0x7FFFFFFF  }
0xd3: {  	s22 =	sadd.s32 $0x4080, s21;
	(ifvalue) =	ssetifvalue $0x7FFFFFFF  }
0xd4: {  	[tilespmem:s22], [sflag:$0x1] =	stream.indirect_vreg.gather [hbm4b:s2+s13], $0x1, v1, vm0, $0x4038;
	[tilespmem:$0x10800] =	vst v63  }
0xd5: {  	v1 =	vadd.s32 $0xF42980, v0;
	(ifvalue) =	ssetifvalue $0x7FFFFFFF  }
0xd6: {  	s22 =	sadd.s32 $0x4100, s21;
	(ifvalue) =	ssetifvalue $0x7FFFFFFF  }
0xd7: {  	[tilespmem:s22], [sflag:$0x1] =	stream.indirect_vreg.gather [hbm4b:s2+s13], $0x1, v2, vm0, $0x4038;
	[tilespmem:$0x10800] =	vst v63  }
0xd8: {  	v2 =	vadd.s32 $0xF42A00, v0;
	(ifvalue) =	ssetifvalue $0x7FFFFFFF  }
0xd9: {  	s22 =	sadd.s32 $0x4180, s21;
	(ifvalue) =	ssetifvalue $0x7FFFFFFF  }
0xda: {  	[tilespmem:s22], [sflag:$0x1] =	stream.indirect_vreg.gather [hbm4b:s2+s13], $0x1, v1, vm0, $0x4038;
	[tilespmem:$0x10800] =	vst v63  }
0xdb: {  	v1 =	vadd.s32 $0xF42A80, v0;
	(ifvalue) =	ssetifvalue $0x7FFFFFFF  }
0xdc: {  	s22 =	sadd.s32 $0x4200, s21;
	(ifvalue) =	ssetifvalue $0x7FFFFFFF  }
0xdd: {  	[tilespmem:s22], [sflag:$0x1] =	stream.indirect_vreg.gather [hbm4b:s2+s13], $0x1, v2, vm0, $0x4038;
	[tilespmem:$0x10800] =	vst v63  }
0xde: {  	v2 =	vadd.s32 $0xF42B00, v0;
	(ifvalue) =	ssetifvalue $0x7FFFFFFF  }
0xdf: {  	s22 =	sadd.s32 $0x4280, s21;
	(ifvalue) =	ssetifvalue $0x7FFFFFFF  }
0xe0: {  	[tilespmem:s22], [sflag:$0x1] =	stream.indirect_vreg.gather [hbm4b:s2+s13], $0x1, v1, vm0, $0x4038;
	[tilespmem:$0x10800] =	vst v63  }
0xe1: {  	v1 =	vadd.s32 $0xF42B80, v0;
	(ifvalue) =	ssetifvalue $0x7FFFFFFF  }
0xe2: {  	s22 =	sadd.s32 $0x4300, s21;
	(ifvalue) =	ssetifvalue $0x7FFFFFFF  }
0xe3: {  	[tilespmem:s22], [sflag:$0x1] =	stream.indirect_vreg.gather [hbm4b:s2+s13], $0x1, v2, vm0, $0x4038;
	[tilespmem:$0x10800] =	vst v63  }
0xe4: {  	v2 =	vadd.s32 $0x16E3C00, v0;
	(ifvalue) =	ssetifvalue $0x7FFFFFFF  }
0xe5: {  	s22 =	sadd.s32 $0x4380, s21;
	(ifvalue) =	ssetifvalue $0x7FFFFFFF  }
0xe6: {  	[tilespmem:s22], [sflag:$0x1] =	stream.indirect_vreg.gather [hbm4b:s2+s13], $0x1, v1, vm0, $0x4038;
	[tilespmem:$0x10800] =	vst v63  }
0xe7: {  	v1 =	vadd.s32 $0x16E3C80, v0;
	(ifvalue) =	ssetifvalue $0x7FFFFFFF  }
0xe8: {  	s22 =	sadd.s32 $0x6000, s21;
	(ifvalue) =	ssetifvalue $0x7FFFFFFF  }
0xe9: {  	[tilespmem:s22], [sflag:$0x1] =	stream.indirect_vreg.gather [hbm4b:s2+s13], $0x1, v2, vm0, $0x4038;
	[tilespmem:$0x10800] =	vst v63  }
0xea: {  	v2 =	vadd.s32 $0x16E3D00, v0;
	(ifvalue) =	ssetifvalue $0x7FFFFFFF  }
0xeb: {  	s22 =	sadd.s32 $0x6080, s21;
	(ifvalue) =	ssetifvalue $0x7FFFFFFF  }
0xec: {  	[tilespmem:s22], [sflag:$0x1] =	stream.indirect_vreg.gather [hbm4b:s2+s13], $0x1, v1, vm0, $0x4038;
	[tilespmem:$0x10800] =	vst v63  }
0xed: {  	v1 =	vadd.s32 $0x16E3D80, v0;
	(ifvalue) =	ssetifvalue $0x7FFFFFFF  }
0xee: {  	s22 =	sadd.s32 $0x6100, s21;
	(ifvalue) =	ssetifvalue $0x7FFFFFFF  }
0xef: {  	[tilespmem:s22], [sflag:$0x1] =	stream.indirect_vreg.gather [hbm4b:s2+s13], $0x1, v2, vm0, $0x4038;
	[tilespmem:$0x10800] =	vst v63  }
0xf0: {  	v2 =	vadd.s32 $0x16E3E00, v0;
	(ifvalue) =	ssetifvalue $0x7FFFFFFF  }
0xf1: {  	s22 =	sadd.s32 $0x6180, s21;
	(ifvalue) =	ssetifvalue $0x7FFFFFFF  }
0xf2: {  	[tilespmem:s22], [sflag:$0x1] =	stream.indirect_vreg.gather [hbm4b:s2+s13], $0x1, v1, vm0, $0x4038;
	[tilespmem:$0x10800] =	vst v63  }
0xf3: {  	v1 =	vadd.s32 $0x16E3E80, v0;
	(ifvalue) =	ssetifvalue $0x7FFFFFFF  }
0xf4: {  	s22 =	sadd.s32 $0x6200, s21;
	(ifvalue) =	ssetifvalue $0x7FFFFFFF  }
0xf5: {  	[tilespmem:s22], [sflag:$0x1] =	stream.indirect_vreg.gather [hbm4b:s2+s13], $0x1, v2, vm0, $0x4038;
	[tilespmem:$0x10800] =	vst v63  }
0xf6: {  	v2 =	vadd.s32 $0x16E3F00, v0;
	(ifvalue) =	ssetifvalue $0x7FFFFFFF  }
0xf7: {  	s22 =	sadd.s32 $0x6280, s21;
	(ifvalue) =	ssetifvalue $0x7FFFFFFF  }
0xf8: {  	[tilespmem:s22], [sflag:$0x1] =	stream.indirect_vreg.gather [hbm4b:s2+s13], $0x1, v1, vm0, $0x4038;
	[tilespmem:$0x10800] =	vst v63  }
.Ltmp3:
0xf9: {  	v0 =	vadd.s32 $0x16E3F80, v0;
	(ifvalue) =	ssetifvalue $0x7FFFFFFF;
	(pc) =	sbr.rel @p1 .LBB2_3-.Ltmp3, $4  }
0xfa: {  	s22 =	sadd.s32 $0x6300, s21;
	(ifvalue) =	ssetifvalue $0x7FFFFFFF  }
0xfb: {  	[tilespmem:s22], [sflag:$0x1] =	stream.indirect_vreg.gather [hbm4b:s2+s13], $0x1, v2, vm0, $0x4038;
	[tilespmem:$0x10800] =	vst v63  }
0xfc: {  	s19 =	sadd.s32 $0x10, s19;
	(ifvalue) =	ssetifvalue $0x7FFFFFFF  }
0xfd: {  	s20 =	sadd.s32 $0x80, s20;
	s21 =	sadd.s32 $0x6380, s21;
	(ifvalue) =	ssetifvalue $0x7FFFFFFF  }
.Ltmp4:
0xfe: {  	_ = 	snop;
	(pc) =	sbr.rel .LBB2_4-.Ltmp4, $1  }
0xff: {  	_ =	sdelay $0x3  }
.LBB2_6:
0x100: {  	_ =	sfence.sel $0x180000  }
0x101: {  	s2 =	simm.s32 $0x2;
	[bflag:$0x0] =	sbarrier.arrive $0xFFFF  }
0x102: {  	s30 =	simm.s32 $0x3;
	[sflag:s2] =	ssyncpa.u1 $0x1  }
0x103: {  	s31 =	simm.s32 $0x1;
	[sflag:s30] =	ssyncpa.u1 $0x1  }
0x104: {  	[sflag:s31] =	ssyncpa.u1 $0x1  }
0x105: {  	p0 =	sne.s32 s0, $0x0;
	_ =	strace $0x9000004A  }
0x106: {  	s0 =	sadd.s32 @!p0 $0x100000, s1;
	[bflag:$0x2] =	sbarrier.arrive $0xFFFF  }
0x107: {  	[sflag:s0] =	ssyncadd.tile.s32 @!p0 $0x1;
	_ =	shalt  }
.Lfunc_end2:
_tile_overlayer_lowered:
.L_overlay_start_2:
0x108: {  	(tag) =	ssettag $0x2  }
0x109: {  	s0 =	rddreg [dreg:$0x0];
	s2 =	stileid.u32  }
0x10a: {  	s1 =	rddreg [dreg:$0x1];
	p0 =	sne.s32 s2, $0x0  }
0x10b: {  	s3 =	rddreg [dreg:$0x2];
	[bflag:$0x3] =	sbarrier.arrive $0xFFFF;
	s2 =	simm.s32 @!p0 $0x1C01  }
0x10c: {  	[timem:s3], [sflag:s2] =	dma.local @!p0 [hbm:s0], s1  }
0x10d: {  	s0 =	simm.s32 @!p0 $0x1  }
0x10e: {  	_ =	swait.ge @!p0 [sflag:s0], s1  }
0x10f: {  	s1 =	ssub.s32 @!p0 $0x0, s1;
	[sflag:s0] =	ssyncset.done @!p0 $0x0  }
0x110: {  	[sflag:s0] =	ssyncadd.s32 @!p0 s1  }
0x111: {  	[bflag:$0x3] =	sbarrier.arrive $0xFFFF  }
0x112: {  	_ =	shalt  }

// kernel: gather_offload_async_start
scs
__scs_entry_jumppad:
0x0: {  	(pc) =	sbr.rel $0x88, $3  }
0x1: {  	(tag) =	ssettag $0x0;
	lr =	simm.s32 $0x1  }
0x2: {  	[smem:$0x3F9C] =	sst lr;
	_ =	strace $0xD0000000  }
0x3: {  	_ = 	snop  }
0x4: {  	_ = 	snop  }
0x5: {  	_ = 	snop  }
0x6: {  	_ = 	snop  }
0x7: {  	_ = 	snop  }
__scs_overlays_trampoline_lowered:
0x8: {  	[smem:$0x3FAB] =	sst s0  }
0x9: {  	[smem:$0x3FAC] =	sst s1  }
0xa: {  	[smem:$0x3FAD] =	sst s2  }
0xb: {  	[smem:$0x3FAE] =	sst s3  }
0xc: {  	[smem:$0x3FAF] =	sst s4  }
0xd: {  	[smem:$0x3FB0] =	sst s5  }
0xe: {  	[smem:$0x3FB1] =	sst s6  }
0xf: {  	[smem:$0x3FB2] =	sst s7  }
0x10: {  	[smem:$0x3FB3] =	sst s8  }
0x11: {  	[smem:$0x3FB4] =	sst s9;
	s0 =	simm.s32 @!p0 $0x0  }
0x12: {  	s1 =	sld [smem:$0x3F9A];
	s0 =	simm.s32 @p0 $0x1  }
0x13: {  	[smem:$0x3FB5] =	sst s0;
	s0 =	simm.s32 @!p1 $0x0  }
0x14: {  	s2 =	sld [smem:$0x3F99];
	s0 =	simm.s32 @p1 $0x1  }
0x15: {  	[smem:$0x3FB6] =	sst s0;
	s0 =	simm.s32 @!p2 $0x0  }
0x16: {  	s3 =	sld [smem:$0x3FDB];
	s0 =	simm.s32 @p2 $0x1  }
0x17: {  	s4 =	simm.s32 $0x1BF5;
	[smem:$0x3FB8] =	sst s0  }
0x18: {  	s0 =	sld [smem:$0x3F9B];
	_ =	swait.ge [sflag:s4], $0x0  }
0x19: {  	s7 =	sld [smem:$0x3F9C]  }
0x1a: {  	s8 =	sadd.s32 $0xFFFFE003, lr  }
0x1b: {  	s9 =	sadd.s32 $0xFFFFFEF7, lr;
	s5 =	simm.s32 $0xFFFFFFFF;
	p2 =	slt.u32 s8, $0xFFFFF086  }
0x1c: {  	p1 =	slt.u32 s9, $0xF7A;
	s5 =	simm.s32 @!p2 $0x0  }
0x1d: {  	s5 =	simm.s32 @p1 $0x1;
	p0 =	seq.s32 s7, s2  }
0x1e: {  	s7 =	smul.u32 @!p0 $0xF7A, s2;
	p2 =	seq.s32 @!p0 s5, $0x0  }
0x1f: {  	s9 =	smul.u32 $0xF7A, s1;
	s8 =	simm.s32 @!p0 $0x1BF5;
	p2 =	por !p2, p0  }
0x20: {  	[sflag:s8] =	ssyncset.s32 @!p0 $0xFFFFF086;
	s6 =	sadd.s32 @!p0 s3, s7;
	s7 =	simm.s32 @!p0 $0x108  }
0x21: {  	s3 =	sadd.s32 s3, s9;
	s6 =	sadd.s32 @!p0 $0x88, s6;
	s7 =	simm.s32 @p2 $0x1082  }
0x22: {  	[simem:s7], [sflag:s8] =	dma.local @!p0 [hbm:s6], $0xF7A  }
0x23: {  	s9 =	sor.u32 $0xD0000000, s2;
	s6 =	simm.s32 $0x108;
	_ =	swait.ge @!p0 [sflag:s8], $0x0  }
0x24: {  	s3 =	sadd.s32 $0x88, s3;
	s6 =	simm.s32 @!p1 $0x1082;
	[sflag:s4] =	ssyncset.s32 $0xFFFFF086  }
0x25: {  	[simem:s6], [sflag:s4] =	dma.local [hbm:s3], $0xF7A  }
0x26: {  	[smem:$0x3F9C] =	sst s1;
	(tag) =	ssettag s2;
	_ =	strace s9  }
0x27: {  	s1 =	sld [smem:$0x3FAC]  }
0x28: {  	s2 =	sld [smem:$0x3FAD]  }
0x29: {  	s4 =	sld [smem:$0x3FAF]  }
0x2a: {  	p0 =	seq.s32 s5, $0x0;
	s5 =	sld [smem:$0x3FB0]  }
0x2b: {  	s6 =	sld [smem:$0x3FB1]  }
0x2c: {  	s7 =	sld [smem:$0x3FB2]  }
0x2d: {  	s3 =	simm.s32 $0x108;
	s8 =	sld [smem:$0x3FB3]  }
0x2e: {  	s3 =	simm.s32 @!p0 $0x1082;
	s9 =	sld [smem:$0x3FB4]  }
0x2f: {  	lr =	sadd.s32 s0, s3;
	s0 =	sld [smem:$0x3FAB]  }
0x30: {  	s3 =	sld [smem:$0x3FAE]  }
0x31: {  	[smem:$0x3FB7] =	sst s10  }
0x32: {  	s10 =	sld [smem:$0x3FB5];
	_ =	sdelay $0x3  }
0x33: {  	p0 =	seq.s32 s10, $0x1;
	s10 =	sld [smem:$0x3FB7];
	_ =	sdelay $0x3  }
0x34: {  	[smem:$0x3FB7] =	sst s10  }
0x35: {  	s10 =	sld [smem:$0x3FB6];
	_ =	sdelay $0x3  }
0x36: {  	p1 =	seq.s32 s10, $0x1;
	s10 =	sld [smem:$0x3FB7];
	_ =	sdelay $0x3  }
0x37: {  	[smem:$0x3FB7] =	sst s10  }
0x38: {  	s10 =	sld [smem:$0x3FB8]  }
0x39: {  	_ = 	snop;
	(pc) =	sbr.ind lr, $3  }
0x3a: {  	_ = 	snop  }
0x3b: {  	_ = 	snop  }
0x3c: {  	p2 =	seq.s32 s10, $0x1;
	s10 =	sld [smem:$0x3FB7]  }
0x3d: {  	_ =	shalt  }
0x3e: {  	_ =	shalt  }
0x3f: {  	_ =	shalt  }
0x40: {  	_ =	shalt  }
0x41: {  	_ =	shalt  }
0x42: {  	_ =	shalt  }
0x43: {  	_ =	shalt  }
0x44: {  	_ =	shalt  }
0x45: {  	_ =	shalt  }
0x46: {  	_ =	shalt  }
0x47: {  	_ =	shalt  }
0x48: {  	_ =	shalt  }
0x49: {  	_ =	shalt  }
0x4a: {  	_ =	shalt  }
0x4b: {  	_ =	shalt  }
0x4c: {  	_ =	shalt  }
0x4d: {  	_ =	shalt  }
0x4e: {  	_ =	shalt  }
0x4f: {  	_ =	shalt  }
0x50: {  	_ =	shalt  }
0x51: {  	_ =	shalt  }
0x52: {  	_ =	shalt  }
0x53: {  	_ =	shalt  }
0x54: {  	_ =	shalt  }
0x55: {  	_ =	shalt  }
0x56: {  	_ =	shalt  }
0x57: {  	_ =	shalt  }
0x58: {  	_ =	shalt  }
0x59: {  	_ =	shalt  }
0x5a: {  	_ =	shalt  }
0x5b: {  	_ =	shalt  }
0x5c: {  	_ =	shalt  }
0x5d: {  	_ =	shalt  }
0x5e: {  	_ =	shalt  }
0x5f: {  	_ =	shalt  }
0x60: {  	_ =	shalt  }
0x61: {  	_ =	shalt  }
0x62: {  	_ =	shalt  }
0x63: {  	_ =	shalt  }
0x64: {  	_ =	shalt  }
0x65: {  	_ =	shalt  }
0x66: {  	_ =	shalt  }
0x67: {  	_ =	shalt  }
0x68: {  	_ =	shalt  }
0x69: {  	_ =	shalt  }
0x6a: {  	_ =	shalt  }
0x6b: {  	_ =	shalt  }
0x6c: {  	_ =	shalt  }
0x6d: {  	_ =	shalt  }
0x6e: {  	_ =	shalt  }
0x6f: {  	_ =	shalt  }
0x70: {  	_ =	shalt  }
0x71: {  	_ =	shalt  }
0x72: {  	_ =	shalt  }
0x73: {  	_ =	shalt  }
0x74: {  	_ =	shalt  }
0x75: {  	_ =	shalt  }
0x76: {  	_ =	shalt  }
0x77: {  	_ =	shalt  }
0x78: {  	_ =	shalt  }
0x79: {  	_ =	shalt  }
0x7a: {  	_ =	shalt  }
0x7b: {  	_ =	shalt  }
0x7c: {  	_ =	shalt  }
0x7d: {  	_ =	shalt  }
0x7e: {  	_ =	shalt  }
0x7f: {  	_ =	shalt  }
0x80: {  	_ =	shalt  }
0x81: {  	_ =	shalt  }
0x82: {  	_ =	shalt  }
0x83: {  	_ =	shalt  }
0x84: {  	_ =	shalt  }
0x85: {  	_ =	shalt  }
0x86: {  	_ =	shalt  }
0x87: {  	_ =	shalt  }
.Lfunc_end0:
.L_simem_size_0:
called_computation_lowered:
.L_overlay_start_0:
0x88: {  	s2 =	sld [smem:$0x3FD9]  }
0x89: {  	s3 =	sld [smem:$0x3FFE];
	_ =	sdelay $0x1  }
0x8a: {  	s1 =	srdreg.scid  }
0x8b: {  	s0 =	sand.u32 $0x1, s1  }
0x8c: {  	s14 =	sshll.u32 s0, $0xA;
	s2 =	sadd.s32 s3, s2  }
0x8d: {  	s2 =	sadd.s32 s2, s14  }
0x8e: {  	[smem:$0x3FC3] =	sst s2  }
0x8f: {  	_ = 	snop  }
0x90: {  	s2 =	sld [smem:$0x3FD0];
	_ =	sdelay $0x2  }
0x91: {  	s4 =	simm.s32 $0xB;
	s5 =	simm.s32 $0x10;
	s15 =	sld [smem:$0x3FC6]  }
0x92: {  	[smem:s5], [sflag:s4] =	dma.local [hbm:s2], $0x1  }
0x93: {  	_ =	swait.eq [sflag:s4], $0x1  }
0x94: {  	[sflag:s4] =	ssyncset.done $0x0  }
0x95: {  	[sflag:s4] =	ssyncadd.s32 $0xFFFFFFFF  }
0x96: {  	s16 =	sld [smem:$0x11];
	(tm) =	ssettm $0x1  }
0x97: {  	s17 =	sld [smem:$0x3FFB];
	_ =	sdelay $0x3  }
0x98: {  	_ =	strace s17  }
0x99: {  	s4 =	sld [smem:$0x3FFC];
	_ =	sdelay $0x3  }
0x9a: {  	_ =	strace s4  }
0x9b: {  	s4 =	sld [smem:$0x3FFD];
	_ =	sdelay $0x3  }
0x9c: {  	_ =	strace s4  }
0x9d: {  	_ =	strace $0x8FFFFFFF  }
0x9e: {  	s18 =	sld [smem:$0x3FDB];
	_ =	sdelay $0x1  }
0x9f: {  	s19 =	simm.s32 $_scs_section_size  }
0xa0: {  	s6 =	simm.s32 $_size__tile_overlayer_lowered;
	s7 =	simm.s32 $_tile_overlayer_lowered  }
0xa1: {  	s22 =	simm.s32 $0x1BFF;
	s21 =	sshll.u32 s7, $0x1;
	s4 =	sadd.s32 s19, s18  }
0xa2: {  	s8 =	simm.s32 $0x0;
	s20 =	sshll.u32 s6, $0x1;
	s6 =	sadd.s32 s21, s4  }
0xa3: {  	[timem:s8], [sflag:s22] =	dma.local [hbm:s6], s20  }
0xa4: {  	_ =	swait.ge [sflag:s22], s20  }
0xa5: {  	s5 =	ssub.s32 $0x0, s20;
	[sflag:s22] =	ssyncset.done $0x0  }
0xa6: {  	[sflag:s22] =	ssyncadd.s32 s5;
	_ =	sdelay $0x1  }
0xa7: {  	s23 =	simm.s32 $0x1B8B  }
0xa8: {  	_ =	swait.ge [sflag:s23], $0x1  }
0xa9: {  	[sflag:s23] =	ssyncset.done $0x0  }
0xaa: {  	s25 =	simm.s32 $0x1B8E;
	s24 =	sld [smem:$0x3FFE];
	[sflag:s23] =	ssyncadd.s32 $0xFFFFFFFF  }
0xab: {  	s26 =	simm.s32 $execute0_lowered;
	[smem:$0x3FD2] =	sst s25  }
0xac: {  	s6 =	sshll.u32 s26, $0x1;
	_ =	strace $0x80000046;
	[dreg:$0x1] =	wrdreg $0xFFFFFFFF  }
0xad: {  	s28 =	simm.s32 $_size_execute0_lowered;
	s4 =	sadd.s32 s4, s6;
	[dreg:$0x0] =	wrdreg $0x0  }
0xae: {  	s6 =	sshll.u32 s28, $0x1;
	[dreg:$0x2] =	wrdreg s4  }
0xaf: {  	[dreg:$0x3] =	wrdreg s6  }
0xb0: {  	[dreg:$0x4] =	wrdreg $0xC0  }
0xb1: {  	_ =	task [dreg:s8], $0x5FFFF  }
0xb2: {  	[dreg:$0x1] =	wrdreg $0xFFFFFFFF  }
0xb3: {  	[dreg:$0x0] =	wrdreg $0x60  }
0xb4: {  	[dreg:$0x2] =	wrdreg s15  }
0xb5: {  	[dreg:$0x3] =	wrdreg s16  }
0xb6: {  	[dreg:$0x4] =	wrdreg s24  }
0xb7: {  	[dreg:$0x5] =	wrdreg $0x9  }
0xb8: {  	_ =	task.clear_ibuf [dreg:s8], $0x6FFFF;
	_ =	strace $0x90000046  }
0xb9: {  	s29 =	simm.s32 $0x9;
	_ =	strace $0x80000048  }
0xba: {  	_ =	swait.ge [sflag:s29], $0x1  }
0xbb: {  	[sflag:s29] =	ssyncadd.s32 $0xFFFFFFFF  }
0xbc: {  	_ =	strace $0x90000048  }
0xbd: {  	_ =	sfence  }
0xbe: {  	s30 =	sld [smem:$0x0];
	_ =	sdelay $0x2  }
0xbf: {  	s31 =	sshll.u32 s1, $0xD;
	s1 =	sshrl.u32 s1, $0x2  }
0xc0: {  	s3 =	sand.u32 $0x4000, s31;
	s1 =	sadd.s32 s1, s30  }
0xc1: {  	s0 =	sor.u32 s3, s0;
	s1 =	sshll.u32 s1, $0x11  }
0xc2: {  	s0 =	sor.u32 s1, s0  }
0xc3: {  	s0 =	sadd.s32 $0x8F2B, s0  }
0xc4: {  	[sflag:s0] =	ssyncadd.remote.s32 $0x1  }
0xc5: {  	_ =	sfence.sel $0xFFFF  }
0xc6: {  	[dreg:$0x0] =	wrdreg $0xFFFFFFFF;
	(pc) =	sbr.abs _section_cstart, $3  }
0xc7: {  	[dreg:$0x1] =	wrdreg $0xFFFFFFFF  }
0xc8: {  	_ =	task.clear_ibuf [dreg:s8], $0x2FFFF;
	_ =	strace $0x9FFFFFFF  }
0xc9: {  	(tm) =	ssettm $0x7FFFFFFF  }
tec
execute0_lowered:
.L_overlay_start_1:
0x0: {  	(tag) =	ssettag $0x1  }
0x1: {  	s2 =	rddreg [dreg:$0x0]  }
0x2: {  	s8 =	rddreg [dreg:$0x1];
	s0 =	srdreg.scid  }
0x3: {  	s11 =	rddreg [dreg:$0x2];
	s1 =	stileid.u32;
	s5 =	simm.s32 $0x1  }
0x4: {  	s6 =	simm.s32 $0x2;
	s10 =	simm.s32 $0x3;
	s13 =	simm.s32 $0x0  }
0x5: {  	s15 =	simm.s32 $0x0;
	s3 =	sshll.u32 s0, $0x9;
	s0 =	rddreg [dreg:$0x3]  }
0x6: {  	s4 =	sshll.u32 s1, $0xA;
	_ =	strace $0x80000047;
	s3 =	sand.u32 $0x200, s3  }
0x7: {  	s14 =	simm.s32 $0x0;
	[sflag:s5] =	ssyncpa.u1 $0x0;
	s3 =	sor.u32 s4, s3  }
0x8: {  	s4 =	sadd.s32 $0x2000, s11;
	[sflag:s6] =	ssyncpa.u1 $0x0;
	s7 =	ssub.s32 $0x4000, s3  }
.Ltmp0:
0x9: {  	[sflag:s10] =	ssyncpa.u1 $0x0;
	s9 =	sand.u32 $0x3E00, s7;
	(pc) =	sbr.rel .LBB2_1-.Ltmp0, $4  }
0xa: {  	s31 =	sshrl.u32 s3, $0x3;
	p0 =	sne.s32 s9, $0x0;
	s9 =	simm.s32 $0x1  }
0xb: {  	s10 =	sadd.s32 $0xA000, s11;
	s7 =	sshrl.u32 s7, $0xE;
	s9 =	simm.s32 @!p0 $0x0  }
0xc: {  	s8 =	sadd.s32 s8, s31;
	p0 =	por $0x0, $0x0;
	s7 =	sadd.s32 s9, s7  }
0xd: {  	vm0 =	vmmov $0xffff;
	s9 =	sadd.s32 $0x6000, s11;
	s11 =	sadd.s32 $0xE000, s11;
	s12 =	sadd.s32 $0x1, s7  }
.LBB2_4:
0xe: {  	_ =	sdelay $0x3  }
0xf: {  	[tilespmem:s21], [sflag:$0x1] =	stream.indirect_vreg.gather [hbm4b:s2+s13], $0x1, v0, vm0, $0x4038;
	[tilespmem:$0x8400] =	vst v63  }
0x10: {  	s18 =	sshll.u32 s15, $0x3  }
0x11: {  	s24 =	sand.u32 $0x78, s15;
	s18 =	sand.u32 $0x7FFFFC00, s18  }
0x12: {  	_ =	swait.ge [sflag:s5], $0x4000;
	s15 =	sor.u32 s24, s18  }
0x13: {  	[sflag:s5] =	ssyncset.done $0x0;
	s15 =	sshrl.u32 s15, $0x3  }
0x14: {  	[sflag:s5] =	ssyncadd.s32 $0xFFFFC000;
	s25 =	sadd.s32 s4, s15  }
0x15: {  	[hbm:s25] =	stream.linear.scatter [tilespmem:s17], [sflag:$0x3], $0x1000, $0x38;
	[tilespmem:$0x8400] =	vst v63  }
0x16: {  	s26 =	sadd.s32 $0x1400, s16;
	s28 =	sadd.s32 s15, s9  }
0x17: {  	[hbm:s28] =	stream.linear.scatter [tilespmem:s26], [sflag:$0x3], $0x1000, $0x38;
	[tilespmem:$0x8400] =	vst v63  }
0x18: {  	s29 =	sadd.s32 $0x2400, s16;
	s30 =	sadd.s32 s15, s10  }
0x19: {  	[hbm:s30] =	stream.linear.scatter [tilespmem:s29], [sflag:$0x3], $0x1000, $0x38;
	[tilespmem:$0x8400] =	vst v63  }
0x1a: {  	s31 =	sadd.s32 $0x3400, s16;
	s15 =	sadd.s32 s15, s11  }
0x1b: {  	[hbm:s15] =	stream.linear.scatter [tilespmem:s31], [sflag:$0x3], $0x1000, $0x38;
	[tilespmem:$0x8400] =	vst v63  }
.LBB2_5:
0x1c: {  	p2 =	sne.s32 s14, s12  }
.Ltmp1:
0x1d: {  	p1 =	slt.u32 s14, $0x2;
	(pc) =	sbr.rel @!p2 .LBB2_6-.Ltmp1, $4  }
0x1e: {  	s15 =	simm.s32 @!p1 $0x3  }
0x1f: {  	_ =	swait.ge @!p1 [sflag:s15], $0x4000  }
0x20: {  	s16 =	sadd.s32 $0x1, s14;
	p0 =	por !p0, !p0;
	[sflag:s15] =	ssyncset.done @!p1 $0x0  }
0x21: {  	s14 =	smov.u32 s16;
	[sflag:s15] =	ssyncadd.s32 @!p1 $0xFFFFC000;
	s15 =	smov.u32 s3  }
.LBB2_1:
0x22: {  	p1 =	sge.u32 s14, s7  }
0x23: {  	s16 =	sxor.u32 @!p1 $0xFFFFFFFF, s14  }
0x24: {  	s16 =	sshll.u32 @!p1 s16, $0x9  }
0x25: {  	s31 =	sadd.s32 $0xFFFFFFFF, s14;
	s17 =	simm.s32 @!p1 $0x0;
	s16 =	sand.u32 @!p1 $0x200, s16  }
0x26: {  	[tilespmem:s16], [sflag:$0x2] =	stream.linear.gather @!p1 [hbm4b:s8+s17], $0x200, $0x38;
	[tilespmem:$0x8400] =	vst v63  }
0x27: {  	p1 =	sge.u32 s31, s7  }
.Ltmp2:
0x28: {  	_ = 	snop;
	(pc) =	sbr.rel @p1 .LBB2_5-.Ltmp2, $1  }
0x29: {  	_ =	sdelay $0x3  }
0x2a: {  	s16 =	simm.s32 $0x1;
	_ =	swait.ge [sflag:s6], $0x200  }
0x2b: {  	s16 =	simm.s32 @!p0 $0x0;
	[sflag:s6] =	ssyncset.done $0x0  }
0x2c: {  	s19 =	sshll.u32 s16, $0x9;
	[sflag:s6] =	ssyncadd.s32 $0xFFFFFE00  }
0x2d: {  	v0 =	vld.msk [tilespmem:s19+$0x0 ss:$0x1], $0xffff;
	_ =	sdelay $0x4  }
0x2e: {  	vm1 =	vgt.s32 v0, $0x0  }
0x2f: {  	v0 =	vnsel vm1, $0x0, v0  }
0x30: {  	v0 =	vmin.u32 v0, $0xF423F  }
0x31: {  	v1 =	vshll.u32 v0, $0x3  }
0x32: {  	v0 =	vand.u32 $0x7F, v0;
	v1 =	vand.u32 $0x7FFC00, v1  }
0x33: {  	s22 =	sshll.u32 s14, $0xE;
	v0 =	vor.u32 v0, v1  }
0x34: {  	s18 =	simm.s32 $0x0;
	s16 =	sand.u32 $0x4000, s22  }
0x35: {  	s20 =	sand.u32 $0xC00, s18;
	s17 =	sor.u32 $0x400, s16  }
0x36: {  	s21 =	sand.u32 $0x70, s18;
	(ifvalue) =	ssetifvalue $0x7FFFFFFF;
	s20 =	sadd.s32 s20, s17;
	v1 =	vor.u32 $0x80, v0  }
0x37: {  	(ifvalue) =	ssetifvalue $0x7FFFFFFF;
	s20 =	sadd.s32 s21, s20  }
0x38: {  	[tilespmem:s20], [sflag:$0x1] =	stream.indirect_vreg.gather [hbm4b:s2+s13], $0x1, v0, vm0, $0x4038;
	[tilespmem:$0x8400] =	vst v63  }
0x39: {  	v2 =	vor.u32 $0x100, v0;
	(ifvalue) =	ssetifvalue $0x7FFFFFFF  }
0x3a: {  	s21 =	sadd.s32 $0x80, s20;
	(ifvalue) =	ssetifvalue $0x7FFFFFFF  }
0x3b: {  	[tilespmem:s21], [sflag:$0x1] =	stream.indirect_vreg.gather [hbm4b:s2+s13], $0x1, v1, vm0, $0x4038;
	[tilespmem:$0x8400] =	vst v63  }
0x3c: {  	v1 =	vor.u32 $0x180, v0;
	(ifvalue) =	ssetifvalue $0x7FFFFFFF  }
0x3d: {  	s23 =	sadd.s32 $0x100, s20;
	(ifvalue) =	ssetifvalue $0x7FFFFFFF  }
0x3e: {  	[tilespmem:s23], [sflag:$0x1] =	stream.indirect_vreg.gather [hbm4b:s2+s13], $0x1, v2, vm0, $0x4038;
	[tilespmem:$0x8400] =	vst v63  }
0x3f: {  	v2 =	vor.u32 $0x200, v0;
	(ifvalue) =	ssetifvalue $0x7FFFFFFF  }
0x40: {  	s24 =	sadd.s32 $0x180, s20;
	(ifvalue) =	ssetifvalue $0x7FFFFFFF  }
0x41: {  	[tilespmem:s24], [sflag:$0x1] =	stream.indirect_vreg.gather [hbm4b:s2+s13], $0x1, v1, vm0, $0x4038;
	[tilespmem:$0x8400] =	vst v63  }
0x42: {  	(ifvalue) =	ssetifvalue $0x7FFFFFFF;
	v1 =	vor.u32 $0x280, v0  }
0x43: {  	s25 =	sadd.s32 $0x200, s20;
	(ifvalue) =	ssetifvalue $0x7FFFFFFF  }
0x44: {  	[tilespmem:s25], [sflag:$0x1] =	stream.indirect_vreg.gather [hbm4b:s2+s13], $0x1, v2, vm0, $0x4038;
	[tilespmem:$0x8400] =	vst v63  }
0x45: {  	(ifvalue) =	ssetifvalue $0x7FFFFFFF;
	v2 =	vor.u32 $0x300, v0  }
0x46: {  	s26 =	sadd.s32 $0x280, s20;
	(ifvalue) =	ssetifvalue $0x7FFFFFFF  }
0x47: {  	[tilespmem:s26], [sflag:$0x1] =	stream.indirect_vreg.gather [hbm4b:s2+s13], $0x1, v1, vm0, $0x4038;
	[tilespmem:$0x8400] =	vst v63  }
0x48: {  	(ifvalue) =	ssetifvalue $0x7FFFFFFF;
	v1 =	vor.u32 $0x380, v0  }
0x49: {  	s18 =	sor.u32 s18, s18;
	s28 =	sadd.s32 $0x300, s20;
	(ifvalue) =	ssetifvalue $0x7FFFFFFF  }
0x4a: {  	[tilespmem:s28], [sflag:$0x1] =	stream.indirect_vreg.gather [hbm4b:s2+s13], $0x1, v2, vm0, $0x4038;
	[tilespmem:$0x8400] =	vst v63  }
0x4b: {  	s18 =	sor.u32 $0x380, s18;
	(ifvalue) =	ssetifvalue $0x7FFFFFFF;
	v2 =	vadd.s32 $0x7A1400, v0  }
0x4c: {  	s18 =	sadd.s32 s18, s17;
	(ifvalue) =	ssetifvalue $0x7FFFFFFF  }
0x4d: {  	[tilespmem:s18], [sflag:$0x1] =	stream.indirect_vreg.gather [hbm4b:s2+s13], $0x1, v1, vm0, $0x4038;
	[tilespmem:$0x8400] =	vst v63  }
0x4e: {  	(ifvalue) =	ssetifvalue $0x7FFFFFFF;
	v1 =	vadd.s32 $0x7A1480, v0  }
0x4f: {  	s29 =	sadd.s32 $0x1000, s20;
	(ifvalue) =	ssetifvalue $0x7FFFFFFF  }
0x50: {  	[tilespmem:s29], [sflag:$0x1] =	stream.indirect_vreg.gather [hbm4b:s2+s13], $0x1, v2, vm0, $0x4038;
	[tilespmem:$0x8400] =	vst v63  }
0x51: {  	(ifvalue) =	ssetifvalue $0x7FFFFFFF;
	v2 =	vadd.s32 $0x7A1500, v0  }
0x52: {  	s30 =	sadd.s32 $0x1080, s20;
	(ifvalue) =	ssetifvalue $0x7FFFFFFF  }
0x53: {  	[tilespmem:s30], [sflag:$0x1] =	stream.indirect_vreg.gather [hbm4b:s2+s13], $0x1, v1, vm0, $0x4038;
	[tilespmem:$0x8400] =	vst v63  }
0x54: {  	(ifvalue) =	ssetifvalue $0x7FFFFFFF;
	v1 =	vadd.s32 $0x7A1580, v0  }
0x55: {  	s31 =	sadd.s32 $0x1100, s20;
	(ifvalue) =	ssetifvalue $0x7FFFFFFF  }
0x56: {  	[tilespmem:s31], [sflag:$0x1] =	stream.indirect_vreg.gather [hbm4b:s2+s13], $0x1, v2, vm0, $0x4038;
	[tilespmem:$0x8400] =	vst v63  }
0x57: {  	(ifvalue) =	ssetifvalue $0x7FFFFFFF;
	v2 =	vadd.s32 $0x7A1600, v0  }
0x58: {  	s21 =	sadd.s32 $0x1180, s20;
	(ifvalue) =	ssetifvalue $0x7FFFFFFF  }
0x59: {  	[tilespmem:s21], [sflag:$0x1] =	stream.indirect_vreg.gather [hbm4b:s2+s13], $0x1, v1, vm0, $0x4038;
	[tilespmem:$0x8400] =	vst v63  }
0x5a: {  	(ifvalue) =	ssetifvalue $0x7FFFFFFF;
	v1 =	vadd.s32 $0x7A1680, v0  }
0x5b: {  	s22 =	sadd.s32 $0x1200, s20;
	(ifvalue) =	ssetifvalue $0x7FFFFFFF  }
0x5c: {  	[tilespmem:s22], [sflag:$0x1] =	stream.indirect_vreg.gather [hbm4b:s2+s13], $0x1, v2, vm0, $0x4038;
	[tilespmem:$0x8400] =	vst v63  }
0x5d: {  	(ifvalue) =	ssetifvalue $0x7FFFFFFF;
	v2 =	vadd.s32 $0x7A1700, v0  }
0x5e: {  	s23 =	sadd.s32 $0x1280, s20;
	(ifvalue) =	ssetifvalue $0x7FFFFFFF  }
0x5f: {  	[tilespmem:s23], [sflag:$0x1] =	stream.indirect_vreg.gather [hbm4b:s2+s13], $0x1, v1, vm0, $0x4038;
	[tilespmem:$0x8400] =	vst v63  }
0x60: {  	(ifvalue) =	ssetifvalue $0x7FFFFFFF;
	v1 =	vadd.s32 $0x7A1780, v0  }
0x61: {  	s24 =	sadd.s32 $0x1300, s20;
	(ifvalue) =	ssetifvalue $0x7FFFFFFF  }
0x62: {  	[tilespmem:s24], [sflag:$0x1] =	stream.indirect_vreg.gather [hbm4b:s2+s13], $0x1, v2, vm0, $0x4038;
	[tilespmem:$0x8400] =	vst v63  }
0x63: {  	(ifvalue) =	ssetifvalue $0x7FFFFFFF;
	v2 =	vadd.s32 $0xF42800, v0  }
0x64: {  	s25 =	sadd.s32 $0x1380, s20;
	(ifvalue) =	ssetifvalue $0x7FFFFFFF  }
0x65: {  	[tilespmem:s25], [sflag:$0x1] =	stream.indirect_vreg.gather [hbm4b:s2+s13], $0x1, v1, vm0, $0x4038;
	[tilespmem:$0x8400] =	vst v63  }
0x66: {  	(ifvalue) =	ssetifvalue $0x7FFFFFFF;
	v1 =	vadd.s32 $0xF42880, v0  }
0x67: {  	s26 =	sadd.s32 $0x2000, s20;
	(ifvalue) =	ssetifvalue $0x7FFFFFFF  }
0x68: {  	[tilespmem:s26], [sflag:$0x1] =	stream.indirect_vreg.gather [hbm4b:s2+s13], $0x1, v2, vm0, $0x4038;
	[tilespmem:$0x8400] =	vst v63  }
0x69: {  	(ifvalue) =	ssetifvalue $0x7FFFFFFF;
	v2 =	vadd.s32 $0xF42900, v0  }
0x6a: {  	s28 =	sadd.s32 $0x2080, s20;
	(ifvalue) =	ssetifvalue $0x7FFFFFFF  }
0x6b: {  	[tilespmem:s28], [sflag:$0x1] =	stream.indirect_vreg.gather [hbm4b:s2+s13], $0x1, v1, vm0, $0x4038;
	[tilespmem:$0x8400] =	vst v63  }
0x6c: {  	(ifvalue) =	ssetifvalue $0x7FFFFFFF;
	v1 =	vadd.s32 $0xF42980, v0  }
0x6d: {  	s29 =	sadd.s32 $0x2100, s20;
	(ifvalue) =	ssetifvalue $0x7FFFFFFF  }
0x6e: {  	[tilespmem:s29], [sflag:$0x1] =	stream.indirect_vreg.gather [hbm4b:s2+s13], $0x1, v2, vm0, $0x4038;
	[tilespmem:$0x8400] =	vst v63  }
0x6f: {  	(ifvalue) =	ssetifvalue $0x7FFFFFFF;
	v2 =	vadd.s32 $0xF42A00, v0  }
0x70: {  	s30 =	sadd.s32 $0x2180, s20;
	(ifvalue) =	ssetifvalue $0x7FFFFFFF  }
0x71: {  	[tilespmem:s30], [sflag:$0x1] =	stream.indirect_vreg.gather [hbm4b:s2+s13], $0x1, v1, vm0, $0x4038;
	[tilespmem:$0x8400] =	vst v63  }
0x72: {  	(ifvalue) =	ssetifvalue $0x7FFFFFFF;
	v1 =	vadd.s32 $0xF42A80, v0  }
0x73: {  	s31 =	sadd.s32 $0x2200, s20;
	(ifvalue) =	ssetifvalue $0x7FFFFFFF  }
0x74: {  	[tilespmem:s31], [sflag:$0x1] =	stream.indirect_vreg.gather [hbm4b:s2+s13], $0x1, v2, vm0, $0x4038;
	[tilespmem:$0x8400] =	vst v63  }
0x75: {  	(ifvalue) =	ssetifvalue $0x7FFFFFFF;
	v2 =	vadd.s32 $0xF42B00, v0  }
0x76: {  	s21 =	sadd.s32 $0x2280, s20;
	(ifvalue) =	ssetifvalue $0x7FFFFFFF  }
0x77: {  	[tilespmem:s21], [sflag:$0x1] =	stream.indirect_vreg.gather [hbm4b:s2+s13], $0x1, v1, vm0, $0x4038;
	[tilespmem:$0x8400] =	vst v63  }
0x78: {  	(ifvalue) =	ssetifvalue $0x7FFFFFFF;
	v1 =	vadd.s32 $0xF42B80, v0  }
0x79: {  	s22 =	sadd.s32 $0x2300, s20;
	(ifvalue) =	ssetifvalue $0x7FFFFFFF  }
0x7a: {  	[tilespmem:s22], [sflag:$0x1] =	stream.indirect_vreg.gather [hbm4b:s2+s13], $0x1, v2, vm0, $0x4038;
	[tilespmem:$0x8400] =	vst v63  }
0x7b: {  	(ifvalue) =	ssetifvalue $0x7FFFFFFF;
	v2 =	vadd.s32 $0x16E3C00, v0  }
0x7c: {  	s23 =	sadd.s32 $0x2380, s20;
	(ifvalue) =	ssetifvalue $0x7FFFFFFF  }
0x7d: {  	[tilespmem:s23], [sflag:$0x1] =	stream.indirect_vreg.gather [hbm4b:s2+s13], $0x1, v1, vm0, $0x4038;
	[tilespmem:$0x8400] =	vst v63  }
0x7e: {  	(ifvalue) =	ssetifvalue $0x7FFFFFFF;
	v1 =	vadd.s32 $0x16E3C80, v0  }
0x7f: {  	s24 =	sadd.s32 $0x3000, s20;
	(ifvalue) =	ssetifvalue $0x7FFFFFFF  }
0x80: {  	[tilespmem:s24], [sflag:$0x1] =	stream.indirect_vreg.gather [hbm4b:s2+s13], $0x1, v2, vm0, $0x4038;
	[tilespmem:$0x8400] =	vst v63  }
0x81: {  	(ifvalue) =	ssetifvalue $0x7FFFFFFF;
	v2 =	vadd.s32 $0x16E3D00, v0  }
0x82: {  	s25 =	sadd.s32 $0x3080, s20;
	(ifvalue) =	ssetifvalue $0x7FFFFFFF  }
0x83: {  	[tilespmem:s25], [sflag:$0x1] =	stream.indirect_vreg.gather [hbm4b:s2+s13], $0x1, v1, vm0, $0x4038;
	[tilespmem:$0x8400] =	vst v63  }
0x84: {  	(ifvalue) =	ssetifvalue $0x7FFFFFFF;
	v1 =	vadd.s32 $0x16E3D80, v0  }
0x85: {  	s26 =	sadd.s32 $0x3100, s20;
	(ifvalue) =	ssetifvalue $0x7FFFFFFF  }
0x86: {  	[tilespmem:s26], [sflag:$0x1] =	stream.indirect_vreg.gather [hbm4b:s2+s13], $0x1, v2, vm0, $0x4038;
	[tilespmem:$0x8400] =	vst v63  }
0x87: {  	(ifvalue) =	ssetifvalue $0x7FFFFFFF;
	v2 =	vadd.s32 $0x16E3E00, v0  }
0x88: {  	s28 =	sadd.s32 $0x3180, s20;
	(ifvalue) =	ssetifvalue $0x7FFFFFFF  }
0x89: {  	[tilespmem:s28], [sflag:$0x1] =	stream.indirect_vreg.gather [hbm4b:s2+s13], $0x1, v1, vm0, $0x4038;
	[tilespmem:$0x8400] =	vst v63  }
0x8a: {  	(ifvalue) =	ssetifvalue $0x7FFFFFFF;
	v1 =	vadd.s32 $0x16E3E80, v0  }
0x8b: {  	s29 =	sadd.s32 $0x3200, s20;
	(ifvalue) =	ssetifvalue $0x7FFFFFFF  }
0x8c: {  	[tilespmem:s29], [sflag:$0x1] =	stream.indirect_vreg.gather [hbm4b:s2+s13], $0x1, v2, vm0, $0x4038;
	[tilespmem:$0x8400] =	vst v63  }
0x8d: {  	(ifvalue) =	ssetifvalue $0x7FFFFFFF;
	v2 =	vadd.s32 $0x16E3F00, v0  }
0x8e: {  	s30 =	sadd.s32 $0x3280, s20;
	(ifvalue) =	ssetifvalue $0x7FFFFFFF  }
0x8f: {  	[tilespmem:s30], [sflag:$0x1] =	stream.indirect_vreg.gather [hbm4b:s2+s13], $0x1, v1, vm0, $0x4038;
	[tilespmem:$0x8400] =	vst v63  }
0x90: {  	v0 =	vadd.s32 $0x16E3F80, v0;
	(ifvalue) =	ssetifvalue $0x7FFFFFFF  }
0x91: {  	s31 =	sadd.s32 $0x3300, s20;
	(ifvalue) =	ssetifvalue $0x7FFFFFFF  }
0x92: {  	[tilespmem:s31], [sflag:$0x1] =	stream.indirect_vreg.gather [hbm4b:s2+s13], $0x1, v2, vm0, $0x4038;
	[tilespmem:$0x8400] =	vst v63  }
0x93: {  	s19 =	sadd.s32 $0x10, s19;
	s18 =	simm.s32 $0x10;
	(ifvalue) =	ssetifvalue $0x7FFFFFFF  }
0x94: {  	s21 =	sadd.s32 $0x3380, s20;
	s20 =	simm.s32 $0x80;
	(ifvalue) =	ssetifvalue $0x7FFFFFFF  }
.LBB2_3:
0x95: {  	[tilespmem:s21], [sflag:$0x1] =	stream.indirect_vreg.gather [hbm4b:s2+s13], $0x1, v0, vm0, $0x4038;
	[tilespmem:$0x8400] =	vst v63  }
0x96: {  	p1 =	sne.s32 s18, $0x1F0;
	s22 =	smov.u32 s18;
	s18 =	sadd.s32 $0x10, s18;
	v0 =	vld.msk [tilespmem:s19+$0x0 ss:$0x1], $0xffff  }
0x97: {  	(ifvalue) =	ssetifvalue $0x7FFFFFFF;
	_ =	sdelay $0x4  }
0x98: {  	vm1 =	vgt.s32 v0, $0x0  }
0x99: {  	v0 =	vnsel vm1, $0x0, v0  }
0x9a: {  	v0 =	vmin.u32 v0, $0xF423F  }
0x9b: {  	v1 =	vshll.u32 v0, $0x3  }
0x9c: {  	v0 =	vand.u32 $0x7F, v0;
	v1 =	vand.u32 $0x7FFC00, v1  }
0x9d: {  	v0 =	vor.u32 v0, v1;
	_ =	sdelay $0x1  }
0x9e: {  	s21 =	sand.u32 $0xC00, s20  }
0x9f: {  	s23 =	sand.u32 $0x70, s22;
	s21 =	sadd.s32 s21, s17;
	v1 =	vor.u32 $0x80, v0  }
0xa0: {  	s21 =	sadd.s32 s23, s21;
	(ifvalue) =	ssetifvalue $0x7FFFFFFF  }
0xa1: {  	[tilespmem:s21], [sflag:$0x1] =	stream.indirect_vreg.gather [hbm4b:s2+s13], $0x1, v0, vm0, $0x4038;
	[tilespmem:$0x8400] =	vst v63  }
0xa2: {  	v2 =	vor.u32 $0x100, v0;
	(ifvalue) =	ssetifvalue $0x7FFFFFFF  }
0xa3: {  	s23 =	sadd.s32 $0x80, s21;
	(ifvalue) =	ssetifvalue $0x7FFFFFFF  }
0xa4: {  	[tilespmem:s23], [sflag:$0x1] =	stream.indirect_vreg.gather [hbm4b:s2+s13], $0x1, v1, vm0, $0x4038;
	[tilespmem:$0x8400] =	vst v63  }
0xa5: {  	v1 =	vor.u32 $0x180, v0;
	(ifvalue) =	ssetifvalue $0x7FFFFFFF  }
0xa6: {  	s23 =	sadd.s32 $0x100, s21;
	(ifvalue) =	ssetifvalue $0x7FFFFFFF  }
0xa7: {  	[tilespmem:s23], [sflag:$0x1] =	stream.indirect_vreg.gather [hbm4b:s2+s13], $0x1, v2, vm0, $0x4038;
	[tilespmem:$0x8400] =	vst v63  }
0xa8: {  	v2 =	vor.u32 $0x200, v0;
	(ifvalue) =	ssetifvalue $0x7FFFFFFF  }
0xa9: {  	s23 =	sadd.s32 $0x180, s21;
	(ifvalue) =	ssetifvalue $0x7FFFFFFF  }
0xaa: {  	[tilespmem:s23], [sflag:$0x1] =	stream.indirect_vreg.gather [hbm4b:s2+s13], $0x1, v1, vm0, $0x4038;
	[tilespmem:$0x8400] =	vst v63  }
0xab: {  	v1 =	vor.u32 $0x280, v0;
	(ifvalue) =	ssetifvalue $0x7FFFFFFF  }
0xac: {  	s23 =	sadd.s32 $0x200, s21;
	(ifvalue) =	ssetifvalue $0x7FFFFFFF  }
0xad: {  	[tilespmem:s23], [sflag:$0x1] =	stream.indirect_vreg.gather [hbm4b:s2+s13], $0x1, v2, vm0, $0x4038;
	[tilespmem:$0x8400] =	vst v63  }
0xae: {  	v2 =	vor.u32 $0x300, v0;
	(ifvalue) =	ssetifvalue $0x7FFFFFFF  }
0xaf: {  	s23 =	sadd.s32 $0x280, s21;
	(ifvalue) =	ssetifvalue $0x7FFFFFFF  }
0xb0: {  	[tilespmem:s23], [sflag:$0x1] =	stream.indirect_vreg.gather [hbm4b:s2+s13], $0x1, v1, vm0, $0x4038;
	[tilespmem:$0x8400] =	vst v63  }
0xb1: {  	v1 =	vor.u32 $0x380, v0;
	(ifvalue) =	ssetifvalue $0x7FFFFFFF  }
0xb2: {  	s22 =	sor.u32 s20, s22;
	s23 =	sadd.s32 $0x300, s21;
	(ifvalue) =	ssetifvalue $0x7FFFFFFF  }
0xb3: {  	[tilespmem:s23], [sflag:$0x1] =	stream.indirect_vreg.gather [hbm4b:s2+s13], $0x1, v2, vm0, $0x4038;
	[tilespmem:$0x8400] =	vst v63  }
0xb4: {  	s22 =	sor.u32 $0x380, s22;
	v2 =	vadd.s32 $0x7A1400, v0;
	(ifvalue) =	ssetifvalue $0x7FFFFFFF  }
0xb5: {  	s22 =	sadd.s32 s22, s17;
	(ifvalue) =	ssetifvalue $0x7FFFFFFF  }
0xb6: {  	[tilespmem:s22], [sflag:$0x1] =	stream.indirect_vreg.gather [hbm4b:s2+s13], $0x1, v1, vm0, $0x4038;
	[tilespmem:$0x8400] =	vst v63  }
0xb7: {  	v1 =	vadd.s32 $0x7A1480, v0;
	(ifvalue) =	ssetifvalue $0x7FFFFFFF  }
0xb8: {  	s22 =	sadd.s32 $0x1000, s21;
	(ifvalue) =	ssetifvalue $0x7FFFFFFF  }
0xb9: {  	[tilespmem:s22], [sflag:$0x1] =	stream.indirect_vreg.gather [hbm4b:s2+s13], $0x1, v2, vm0, $0x4038;
	[tilespmem:$0x8400] =	vst v63  }
0xba: {  	v2 =	vadd.s32 $0x7A1500, v0;
	(ifvalue) =	ssetifvalue $0x7FFFFFFF  }
0xbb: {  	s22 =	sadd.s32 $0x1080, s21;
	(ifvalue) =	ssetifvalue $0x7FFFFFFF  }
0xbc: {  	[tilespmem:s22], [sflag:$0x1] =	stream.indirect_vreg.gather [hbm4b:s2+s13], $0x1, v1, vm0, $0x4038;
	[tilespmem:$0x8400] =	vst v63  }
0xbd: {  	v1 =	vadd.s32 $0x7A1580, v0;
	(ifvalue) =	ssetifvalue $0x7FFFFFFF  }
0xbe: {  	s22 =	sadd.s32 $0x1100, s21;
	(ifvalue) =	ssetifvalue $0x7FFFFFFF  }
0xbf: {  	[tilespmem:s22], [sflag:$0x1] =	stream.indirect_vreg.gather [hbm4b:s2+s13], $0x1, v2, vm0, $0x4038;
	[tilespmem:$0x8400] =	vst v63  }
0xc0: {  	v2 =	vadd.s32 $0x7A1600, v0;
	(ifvalue) =	ssetifvalue $0x7FFFFFFF  }
0xc1: {  	s22 =	sadd.s32 $0x1180, s21;
	(ifvalue) =	ssetifvalue $0x7FFFFFFF  }
0xc2: {  	[tilespmem:s22], [sflag:$0x1] =	stream.indirect_vreg.gather [hbm4b:s2+s13], $0x1, v1, vm0, $0x4038;
	[tilespmem:$0x8400] =	vst v63  }
0xc3: {  	v1 =	vadd.s32 $0x7A1680, v0;
	(ifvalue) =	ssetifvalue $0x7FFFFFFF  }
0xc4: {  	s22 =	sadd.s32 $0x1200, s21;
	(ifvalue) =	ssetifvalue $0x7FFFFFFF  }
0xc5: {  	[tilespmem:s22], [sflag:$0x1] =	stream.indirect_vreg.gather [hbm4b:s2+s13], $0x1, v2, vm0, $0x4038;
	[tilespmem:$0x8400] =	vst v63  }
0xc6: {  	v2 =	vadd.s32 $0x7A1700, v0;
	(ifvalue) =	ssetifvalue $0x7FFFFFFF  }
0xc7: {  	s22 =	sadd.s32 $0x1280, s21;
	(ifvalue) =	ssetifvalue $0x7FFFFFFF  }
0xc8: {  	[tilespmem:s22], [sflag:$0x1] =	stream.indirect_vreg.gather [hbm4b:s2+s13], $0x1, v1, vm0, $0x4038;
	[tilespmem:$0x8400] =	vst v63  }
0xc9: {  	v1 =	vadd.s32 $0x7A1780, v0;
	(ifvalue) =	ssetifvalue $0x7FFFFFFF  }
0xca: {  	s22 =	sadd.s32 $0x1300, s21;
	(ifvalue) =	ssetifvalue $0x7FFFFFFF  }
0xcb: {  	[tilespmem:s22], [sflag:$0x1] =	stream.indirect_vreg.gather [hbm4b:s2+s13], $0x1, v2, vm0, $0x4038;
	[tilespmem:$0x8400] =	vst v63  }
0xcc: {  	v2 =	vadd.s32 $0xF42800, v0;
	(ifvalue) =	ssetifvalue $0x7FFFFFFF  }
0xcd: {  	s22 =	sadd.s32 $0x1380, s21;
	(ifvalue) =	ssetifvalue $0x7FFFFFFF  }
0xce: {  	[tilespmem:s22], [sflag:$0x1] =	stream.indirect_vreg.gather [hbm4b:s2+s13], $0x1, v1, vm0, $0x4038;
	[tilespmem:$0x8400] =	vst v63  }
0xcf: {  	v1 =	vadd.s32 $0xF42880, v0;
	(ifvalue) =	ssetifvalue $0x7FFFFFFF  }
0xd0: {  	s22 =	sadd.s32 $0x2000, s21;
	(ifvalue) =	ssetifvalue $0x7FFFFFFF  }
0xd1: {  	[tilespmem:s22], [sflag:$0x1] =	stream.indirect_vreg.gather [hbm4b:s2+s13], $0x1, v2, vm0, $0x4038;
	[tilespmem:$0x8400] =	vst v63  }
0xd2: {  	v2 =	vadd.s32 $0xF42900, v0;
	(ifvalue) =	ssetifvalue $0x7FFFFFFF  }
0xd3: {  	s22 =	sadd.s32 $0x2080, s21;
	(ifvalue) =	ssetifvalue $0x7FFFFFFF  }
0xd4: {  	[tilespmem:s22], [sflag:$0x1] =	stream.indirect_vreg.gather [hbm4b:s2+s13], $0x1, v1, vm0, $0x4038;
	[tilespmem:$0x8400] =	vst v63  }
0xd5: {  	v1 =	vadd.s32 $0xF42980, v0;
	(ifvalue) =	ssetifvalue $0x7FFFFFFF  }
0xd6: {  	s22 =	sadd.s32 $0x2100, s21;
	(ifvalue) =	ssetifvalue $0x7FFFFFFF  }
0xd7: {  	[tilespmem:s22], [sflag:$0x1] =	stream.indirect_vreg.gather [hbm4b:s2+s13], $0x1, v2, vm0, $0x4038;
	[tilespmem:$0x8400] =	vst v63  }
0xd8: {  	v2 =	vadd.s32 $0xF42A00, v0;
	(ifvalue) =	ssetifvalue $0x7FFFFFFF  }
0xd9: {  	s22 =	sadd.s32 $0x2180, s21;
	(ifvalue) =	ssetifvalue $0x7FFFFFFF  }
0xda: {  	[tilespmem:s22], [sflag:$0x1] =	stream.indirect_vreg.gather [hbm4b:s2+s13], $0x1, v1, vm0, $0x4038;
	[tilespmem:$0x8400] =	vst v63  }
0xdb: {  	v1 =	vadd.s32 $0xF42A80, v0;
	(ifvalue) =	ssetifvalue $0x7FFFFFFF  }
0xdc: {  	s22 =	sadd.s32 $0x2200, s21;
	(ifvalue) =	ssetifvalue $0x7FFFFFFF  }
0xdd: {  	[tilespmem:s22], [sflag:$0x1] =	stream.indirect_vreg.gather [hbm4b:s2+s13], $0x1, v2, vm0, $0x4038;
	[tilespmem:$0x8400] =	vst v63  }
0xde: {  	v2 =	vadd.s32 $0xF42B00, v0;
	(ifvalue) =	ssetifvalue $0x7FFFFFFF  }
0xdf: {  	s22 =	sadd.s32 $0x2280, s21;
	(ifvalue) =	ssetifvalue $0x7FFFFFFF  }
0xe0: {  	[tilespmem:s22], [sflag:$0x1] =	stream.indirect_vreg.gather [hbm4b:s2+s13], $0x1, v1, vm0, $0x4038;
	[tilespmem:$0x8400] =	vst v63  }
0xe1: {  	v1 =	vadd.s32 $0xF42B80, v0;
	(ifvalue) =	ssetifvalue $0x7FFFFFFF  }
0xe2: {  	s22 =	sadd.s32 $0x2300, s21;
	(ifvalue) =	ssetifvalue $0x7FFFFFFF  }
0xe3: {  	[tilespmem:s22], [sflag:$0x1] =	stream.indirect_vreg.gather [hbm4b:s2+s13], $0x1, v2, vm0, $0x4038;
	[tilespmem:$0x8400] =	vst v63  }
0xe4: {  	v2 =	vadd.s32 $0x16E3C00, v0;
	(ifvalue) =	ssetifvalue $0x7FFFFFFF  }
0xe5: {  	s22 =	sadd.s32 $0x2380, s21;
	(ifvalue) =	ssetifvalue $0x7FFFFFFF  }
0xe6: {  	[tilespmem:s22], [sflag:$0x1] =	stream.indirect_vreg.gather [hbm4b:s2+s13], $0x1, v1, vm0, $0x4038;
	[tilespmem:$0x8400] =	vst v63  }
0xe7: {  	v1 =	vadd.s32 $0x16E3C80, v0;
	(ifvalue) =	ssetifvalue $0x7FFFFFFF  }
0xe8: {  	s22 =	sadd.s32 $0x3000, s21;
	(ifvalue) =	ssetifvalue $0x7FFFFFFF  }
0xe9: {  	[tilespmem:s22], [sflag:$0x1] =	stream.indirect_vreg.gather [hbm4b:s2+s13], $0x1, v2, vm0, $0x4038;
	[tilespmem:$0x8400] =	vst v63  }
0xea: {  	v2 =	vadd.s32 $0x16E3D00, v0;
	(ifvalue) =	ssetifvalue $0x7FFFFFFF  }
0xeb: {  	s22 =	sadd.s32 $0x3080, s21;
	(ifvalue) =	ssetifvalue $0x7FFFFFFF  }
0xec: {  	[tilespmem:s22], [sflag:$0x1] =	stream.indirect_vreg.gather [hbm4b:s2+s13], $0x1, v1, vm0, $0x4038;
	[tilespmem:$0x8400] =	vst v63  }
0xed: {  	v1 =	vadd.s32 $0x16E3D80, v0;
	(ifvalue) =	ssetifvalue $0x7FFFFFFF  }
0xee: {  	s22 =	sadd.s32 $0x3100, s21;
	(ifvalue) =	ssetifvalue $0x7FFFFFFF  }
0xef: {  	[tilespmem:s22], [sflag:$0x1] =	stream.indirect_vreg.gather [hbm4b:s2+s13], $0x1, v2, vm0, $0x4038;
	[tilespmem:$0x8400] =	vst v63  }
0xf0: {  	v2 =	vadd.s32 $0x16E3E00, v0;
	(ifvalue) =	ssetifvalue $0x7FFFFFFF  }
0xf1: {  	s22 =	sadd.s32 $0x3180, s21;
	(ifvalue) =	ssetifvalue $0x7FFFFFFF  }
0xf2: {  	[tilespmem:s22], [sflag:$0x1] =	stream.indirect_vreg.gather [hbm4b:s2+s13], $0x1, v1, vm0, $0x4038;
	[tilespmem:$0x8400] =	vst v63  }
0xf3: {  	v1 =	vadd.s32 $0x16E3E80, v0;
	(ifvalue) =	ssetifvalue $0x7FFFFFFF  }
0xf4: {  	s22 =	sadd.s32 $0x3200, s21;
	(ifvalue) =	ssetifvalue $0x7FFFFFFF  }
0xf5: {  	[tilespmem:s22], [sflag:$0x1] =	stream.indirect_vreg.gather [hbm4b:s2+s13], $0x1, v2, vm0, $0x4038;
	[tilespmem:$0x8400] =	vst v63  }
0xf6: {  	v2 =	vadd.s32 $0x16E3F00, v0;
	(ifvalue) =	ssetifvalue $0x7FFFFFFF  }
0xf7: {  	s22 =	sadd.s32 $0x3280, s21;
	(ifvalue) =	ssetifvalue $0x7FFFFFFF  }
0xf8: {  	[tilespmem:s22], [sflag:$0x1] =	stream.indirect_vreg.gather [hbm4b:s2+s13], $0x1, v1, vm0, $0x4038;
	[tilespmem:$0x8400] =	vst v63  }
.Ltmp3:
0xf9: {  	v0 =	vadd.s32 $0x16E3F80, v0;
	(ifvalue) =	ssetifvalue $0x7FFFFFFF;
	(pc) =	sbr.rel @p1 .LBB2_3-.Ltmp3, $4  }
0xfa: {  	s22 =	sadd.s32 $0x3300, s21;
	(ifvalue) =	ssetifvalue $0x7FFFFFFF  }
0xfb: {  	[tilespmem:s22], [sflag:$0x1] =	stream.indirect_vreg.gather [hbm4b:s2+s13], $0x1, v2, vm0, $0x4038;
	[tilespmem:$0x8400] =	vst v63  }
0xfc: {  	s19 =	sadd.s32 $0x10, s19;
	(ifvalue) =	ssetifvalue $0x7FFFFFFF  }
0xfd: {  	s20 =	sadd.s32 $0x80, s20;
	s21 =	sadd.s32 $0x3380, s21;
	(ifvalue) =	ssetifvalue $0x7FFFFFFF  }
.Ltmp4:
0xfe: {  	_ = 	snop;
	(pc) =	sbr.rel .LBB2_4-.Ltmp4, $1  }
0xff: {  	_ =	sdelay $0x3  }
.LBB2_6:
0x100: {  	_ =	sfence.sel $0x180000  }
0x101: {  	s2 =	simm.s32 $0x2;
	[bflag:$0x0] =	sbarrier.arrive $0xFFFF  }
0x102: {  	s30 =	simm.s32 $0x3;
	[sflag:s2] =	ssyncpa.u1 $0x1  }
0x103: {  	s31 =	simm.s32 $0x1;
	[sflag:s30] =	ssyncpa.u1 $0x1  }
0x104: {  	[sflag:s31] =	ssyncpa.u1 $0x1  }
0x105: {  	p0 =	sne.s32 s1, $0x0;
	_ =	strace $0x90000047  }
0x106: {  	s0 =	sadd.s32 @!p0 $0x100000, s0;
	[bflag:$0x2] =	sbarrier.arrive $0xFFFF  }
0x107: {  	[sflag:s0] =	ssyncadd.tile.s32 @!p0 $0x1;
	_ =	shalt  }
.Lfunc_end2:
_tile_overlayer_lowered:
.L_overlay_start_2:
0x108: {  	(tag) =	ssettag $0x2  }
0x109: {  	s0 =	rddreg [dreg:$0x0];
	s2 =	stileid.u32  }
0x10a: {  	s1 =	rddreg [dreg:$0x1];
	p0 =	sne.s32 s2, $0x0  }
0x10b: {  	s3 =	rddreg [dreg:$0x2];
	[bflag:$0x3] =	sbarrier.arrive $0xFFFF;
	s2 =	simm.s32 @!p0 $0x1C01  }
0x10c: {  	[timem:s3], [sflag:s2] =	dma.local @!p0 [hbm:s0], s1  }
0x10d: {  	s0 =	simm.s32 @!p0 $0x1  }
0x10e: {  	_ =	swait.ge @!p0 [sflag:s0], s1  }
0x10f: {  	s1 =	ssub.s32 @!p0 $0x0, s1;
	[sflag:s0] =	ssyncset.done @!p0 $0x0  }
0x110: {  	[sflag:s0] =	ssyncadd.s32 @!p0 s1  }
0x111: {  	[bflag:$0x3] =	sbarrier.arrive $0xFFFF  }
0x112: {  	_ =	shalt  }

// kernel: kernel.3.cloned.1.call-start
scs
__scs_entry_jumppad:
0x0: {  	(pc) =	sbr.rel $0x88, $3  }
0x1: {  	(tag) =	ssettag $0x0;
	lr =	simm.s32 $0x1  }
0x2: {  	[smem:$0x3F9C] =	sst lr;
	_ =	strace $0xD0000000  }
0x3: {  	_ = 	snop  }
0x4: {  	_ = 	snop  }
0x5: {  	_ = 	snop  }
0x6: {  	_ = 	snop  }
0x7: {  	_ = 	snop  }
__scs_overlays_trampoline_lowered:
0x8: {  	[smem:$0x3FAB] =	sst s0  }
0x9: {  	[smem:$0x3FAC] =	sst s1  }
0xa: {  	[smem:$0x3FAD] =	sst s2  }
0xb: {  	[smem:$0x3FAE] =	sst s3  }
0xc: {  	[smem:$0x3FAF] =	sst s4  }
0xd: {  	[smem:$0x3FB0] =	sst s5  }
0xe: {  	[smem:$0x3FB1] =	sst s6  }
0xf: {  	[smem:$0x3FB2] =	sst s7  }
0x10: {  	[smem:$0x3FB3] =	sst s8  }
0x11: {  	[smem:$0x3FB4] =	sst s9;
	s0 =	simm.s32 @!p0 $0x0  }
0x12: {  	s1 =	sld [smem:$0x3F9A];
	s0 =	simm.s32 @p0 $0x1  }
0x13: {  	[smem:$0x3FB5] =	sst s0;
	s0 =	simm.s32 @!p1 $0x0  }
0x14: {  	s2 =	sld [smem:$0x3F99];
	s0 =	simm.s32 @p1 $0x1  }
0x15: {  	[smem:$0x3FB6] =	sst s0;
	s0 =	simm.s32 @!p2 $0x0  }
0x16: {  	s3 =	sld [smem:$0x3FDB];
	s0 =	simm.s32 @p2 $0x1  }
0x17: {  	s4 =	simm.s32 $0x1BF5;
	[smem:$0x3FB8] =	sst s0  }
0x18: {  	s0 =	sld [smem:$0x3F9B];
	_ =	swait.ge [sflag:s4], $0x0  }
0x19: {  	s7 =	sld [smem:$0x3F9C]  }
0x1a: {  	s8 =	sadd.s32 $0xFFFFE003, lr  }
0x1b: {  	s9 =	sadd.s32 $0xFFFFFEF7, lr;
	s5 =	simm.s32 $0xFFFFFFFF;
	p2 =	slt.u32 s8, $0xFFFFF086  }
0x1c: {  	p1 =	slt.u32 s9, $0xF7A;
	s5 =	simm.s32 @!p2 $0x0  }
0x1d: {  	s5 =	simm.s32 @p1 $0x1;
	p0 =	seq.s32 s7, s2  }
0x1e: {  	s7 =	smul.u32 @!p0 $0xF7A, s2;
	p2 =	seq.s32 @!p0 s5, $0x0  }
0x1f: {  	s9 =	smul.u32 $0xF7A, s1;
	s8 =	simm.s32 @!p0 $0x1BF5;
	p2 =	por !p2, p0  }
0x20: {  	[sflag:s8] =	ssyncset.s32 @!p0 $0xFFFFF086;
	s6 =	sadd.s32 @!p0 s3, s7;
	s7 =	simm.s32 @!p0 $0x108  }
0x21: {  	s3 =	sadd.s32 s3, s9;
	s6 =	sadd.s32 @!p0 $0x88, s6;
	s7 =	simm.s32 @p2 $0x1082  }
0x22: {  	[simem:s7], [sflag:s8] =	dma.local @!p0 [hbm:s6], $0xF7A  }
0x23: {  	s9 =	sor.u32 $0xD0000000, s2;
	s6 =	simm.s32 $0x108;
	_ =	swait.ge @!p0 [sflag:s8], $0x0  }
0x24: {  	s3 =	sadd.s32 $0x88, s3;
	s6 =	simm.s32 @!p1 $0x1082;
	[sflag:s4] =	ssyncset.s32 $0xFFFFF086  }
0x25: {  	[simem:s6], [sflag:s4] =	dma.local [hbm:s3], $0xF7A  }
0x26: {  	[smem:$0x3F9C] =	sst s1;
	(tag) =	ssettag s2;
	_ =	strace s9  }
0x27: {  	s1 =	sld [smem:$0x3FAC]  }
0x28: {  	s2 =	sld [smem:$0x3FAD]  }
0x29: {  	s4 =	sld [smem:$0x3FAF]  }
0x2a: {  	p0 =	seq.s32 s5, $0x0;
	s5 =	sld [smem:$0x3FB0]  }
0x2b: {  	s6 =	sld [smem:$0x3FB1]  }
0x2c: {  	s7 =	sld [smem:$0x3FB2]  }
0x2d: {  	s3 =	simm.s32 $0x108;
	s8 =	sld [smem:$0x3FB3]  }
0x2e: {  	s3 =	simm.s32 @!p0 $0x1082;
	s9 =	sld [smem:$0x3FB4]  }
0x2f: {  	lr =	sadd.s32 s0, s3;
	s0 =	sld [smem:$0x3FAB]  }
0x30: {  	s3 =	sld [smem:$0x3FAE]  }
0x31: {  	[smem:$0x3FB7] =	sst s10  }
0x32: {  	s10 =	sld [smem:$0x3FB5];
	_ =	sdelay $0x3  }
0x33: {  	p0 =	seq.s32 s10, $0x1;
	s10 =	sld [smem:$0x3FB7];
	_ =	sdelay $0x3  }
0x34: {  	[smem:$0x3FB7] =	sst s10  }
0x35: {  	s10 =	sld [smem:$0x3FB6];
	_ =	sdelay $0x3  }
0x36: {  	p1 =	seq.s32 s10, $0x1;
	s10 =	sld [smem:$0x3FB7];
	_ =	sdelay $0x3  }
0x37: {  	[smem:$0x3FB7] =	sst s10  }
0x38: {  	s10 =	sld [smem:$0x3FB8]  }
0x39: {  	_ = 	snop;
	(pc) =	sbr.ind lr, $3  }
0x3a: {  	_ = 	snop  }
0x3b: {  	_ = 	snop  }
0x3c: {  	p2 =	seq.s32 s10, $0x1;
	s10 =	sld [smem:$0x3FB7]  }
0x3d: {  	_ =	shalt  }
0x3e: {  	_ =	shalt  }
0x3f: {  	_ =	shalt  }
0x40: {  	_ =	shalt  }
0x41: {  	_ =	shalt  }
0x42: {  	_ =	shalt  }
0x43: {  	_ =	shalt  }
0x44: {  	_ =	shalt  }
0x45: {  	_ =	shalt  }
0x46: {  	_ =	shalt  }
0x47: {  	_ =	shalt  }
0x48: {  	_ =	shalt  }
0x49: {  	_ =	shalt  }
0x4a: {  	_ =	shalt  }
0x4b: {  	_ =	shalt  }
0x4c: {  	_ =	shalt  }
0x4d: {  	_ =	shalt  }
0x4e: {  	_ =	shalt  }
0x4f: {  	_ =	shalt  }
0x50: {  	_ =	shalt  }
0x51: {  	_ =	shalt  }
0x52: {  	_ =	shalt  }
0x53: {  	_ =	shalt  }
0x54: {  	_ =	shalt  }
0x55: {  	_ =	shalt  }
0x56: {  	_ =	shalt  }
0x57: {  	_ =	shalt  }
0x58: {  	_ =	shalt  }
0x59: {  	_ =	shalt  }
0x5a: {  	_ =	shalt  }
0x5b: {  	_ =	shalt  }
0x5c: {  	_ =	shalt  }
0x5d: {  	_ =	shalt  }
0x5e: {  	_ =	shalt  }
0x5f: {  	_ =	shalt  }
0x60: {  	_ =	shalt  }
0x61: {  	_ =	shalt  }
0x62: {  	_ =	shalt  }
0x63: {  	_ =	shalt  }
0x64: {  	_ =	shalt  }
0x65: {  	_ =	shalt  }
0x66: {  	_ =	shalt  }
0x67: {  	_ =	shalt  }
0x68: {  	_ =	shalt  }
0x69: {  	_ =	shalt  }
0x6a: {  	_ =	shalt  }
0x6b: {  	_ =	shalt  }
0x6c: {  	_ =	shalt  }
0x6d: {  	_ =	shalt  }
0x6e: {  	_ =	shalt  }
0x6f: {  	_ =	shalt  }
0x70: {  	_ =	shalt  }
0x71: {  	_ =	shalt  }
0x72: {  	_ =	shalt  }
0x73: {  	_ =	shalt  }
0x74: {  	_ =	shalt  }
0x75: {  	_ =	shalt  }
0x76: {  	_ =	shalt  }
0x77: {  	_ =	shalt  }
0x78: {  	_ =	shalt  }
0x79: {  	_ =	shalt  }
0x7a: {  	_ =	shalt  }
0x7b: {  	_ =	shalt  }
0x7c: {  	_ =	shalt  }
0x7d: {  	_ =	shalt  }
0x7e: {  	_ =	shalt  }
0x7f: {  	_ =	shalt  }
0x80: {  	_ =	shalt  }
0x81: {  	_ =	shalt  }
0x82: {  	_ =	shalt  }
0x83: {  	_ =	shalt  }
0x84: {  	_ =	shalt  }
0x85: {  	_ =	shalt  }
0x86: {  	_ =	shalt  }
0x87: {  	_ =	shalt  }
.Lfunc_end0:
.L_simem_size_0:
called_computation.2_lowered:
.L_overlay_start_0:
0x88: {  	s2 =	sld [smem:$0x3FD9]  }
0x89: {  	s3 =	sld [smem:$0x3FFE];
	_ =	sdelay $0x1  }
0x8a: {  	s1 =	srdreg.scid  }
0x8b: {  	s0 =	sand.u32 $0x1, s1  }
0x8c: {  	s14 =	sshll.u32 s0, $0xA;
	s2 =	sadd.s32 s3, s2  }
0x8d: {  	s2 =	sadd.s32 s2, s14  }
0x8e: {  	[smem:$0x3FC3] =	sst s2  }
0x8f: {  	_ = 	snop  }
0x90: {  	s2 =	sld [smem:$0x3FD0];
	_ =	sdelay $0x2  }
0x91: {  	s15 =	simm.s32 $0xB;
	s4 =	simm.s32 $0x10  }
0x92: {  	[smem:s4], [sflag:s15] =	dma.local [hbm:s2], $0x1  }
0x93: {  	_ =	swait.eq [sflag:s15], $0x1  }
0x94: {  	[sflag:s15] =	ssyncset.done $0x0  }
0x95: {  	s16 =	sld [smem:$0x10];
	[sflag:s15] =	ssyncadd.s32 $0xFFFFFFFF  }
0x96: {  	s17 =	sld [smem:$0x11];
	(tm) =	ssettm $0x1  }
0x97: {  	s18 =	sld [smem:$0x3FFB];
	_ =	sdelay $0x3  }
0x98: {  	_ =	strace s18  }
0x99: {  	s4 =	sld [smem:$0x3FFC];
	_ =	sdelay $0x3  }
0x9a: {  	_ =	strace s4  }
0x9b: {  	s4 =	sld [smem:$0x3FFD];
	_ =	sdelay $0x3  }
0x9c: {  	_ =	strace s4  }
0x9d: {  	_ =	strace $0x8FFFFFFF  }
0x9e: {  	s19 =	sld [smem:$0x3FDB];
	_ =	sdelay $0x1  }
0x9f: {  	s5 =	simm.s32 $_scs_section_size  }
0xa0: {  	s6 =	simm.s32 $_size__tile_overlayer_lowered;
	s7 =	simm.s32 $_tile_overlayer_lowered  }
0xa1: {  	s22 =	simm.s32 $0x1BFF;
	s21 =	sshll.u32 s7, $0x1;
	s4 =	sadd.s32 s5, s19  }
0xa2: {  	s8 =	simm.s32 $0x0;
	s20 =	sshll.u32 s6, $0x1;
	s6 =	sadd.s32 s21, s4  }
0xa3: {  	[timem:s8], [sflag:s22] =	dma.local [hbm:s6], s20  }
0xa4: {  	_ =	swait.ge [sflag:s22], s20  }
0xa5: {  	s5 =	ssub.s32 $0x0, s20;
	[sflag:s22] =	ssyncset.done $0x0  }
0xa6: {  	[sflag:s22] =	ssyncadd.s32 s5;
	_ =	sdelay $0x1  }
0xa7: {  	s23 =	simm.s32 $0x1B8B  }
0xa8: {  	_ =	swait.ge [sflag:s23], $0x1  }
0xa9: {  	[sflag:s23] =	ssyncset.done $0x0  }
0xaa: {  	s25 =	simm.s32 $0x1B8E;
	s24 =	sld [smem:$0x3FFE];
	[sflag:s23] =	ssyncadd.s32 $0xFFFFFFFF  }
0xab: {  	s26 =	simm.s32 $execute0_lowered;
	[smem:$0x3FD2] =	sst s25  }
0xac: {  	s6 =	sshll.u32 s26, $0x1;
	_ =	strace $0x8000004C;
	[dreg:$0x1] =	wrdreg $0xFFFFFFFF  }
0xad: {  	s28 =	simm.s32 $_size_execute0_lowered;
	s4 =	sadd.s32 s4, s6;
	[dreg:$0x0] =	wrdreg $0x0  }
0xae: {  	s6 =	sshll.u32 s28, $0x1;
	[dreg:$0x2] =	wrdreg s4  }
0xaf: {  	[dreg:$0x3] =	wrdreg s6  }
0xb0: {  	[dreg:$0x4] =	wrdreg $0xC0  }
0xb1: {  	_ =	task [dreg:s8], $0x5FFFF  }
0xb2: {  	[dreg:$0x1] =	wrdreg $0xFFFFFFFF  }
0xb3: {  	[dreg:$0x0] =	wrdreg $0x60  }
0xb4: {  	[dreg:$0x2] =	wrdreg s24  }
0xb5: {  	[dreg:$0x3] =	wrdreg s16  }
0xb6: {  	[dreg:$0x4] =	wrdreg s17  }
0xb7: {  	[dreg:$0x5] =	wrdreg $0x9  }
0xb8: {  	_ =	task.clear_ibuf [dreg:s8], $0x6FFFF;
	_ =	strace $0x9000004C  }
0xb9: {  	s29 =	simm.s32 $0x9;
	_ =	strace $0x8000004E  }
0xba: {  	_ =	swait.ge [sflag:s29], $0x1  }
0xbb: {  	[sflag:s29] =	ssyncadd.s32 $0xFFFFFFFF  }
0xbc: {  	_ =	strace $0x9000004E  }
0xbd: {  	_ =	sfence  }
0xbe: {  	s30 =	sld [smem:$0x0];
	_ =	sdelay $0x2  }
0xbf: {  	s31 =	sshll.u32 s1, $0xD;
	s1 =	sshrl.u32 s1, $0x2  }
0xc0: {  	s3 =	sand.u32 $0x4000, s31;
	s1 =	sadd.s32 s1, s30  }
0xc1: {  	s0 =	sor.u32 s3, s0;
	s1 =	sshll.u32 s1, $0x11  }
0xc2: {  	s0 =	sor.u32 s1, s0  }
0xc3: {  	s0 =	sadd.s32 $0x8F2B, s0  }
0xc4: {  	[sflag:s0] =	ssyncadd.remote.s32 $0x1  }
0xc5: {  	_ =	sfence.sel $0xFFFF  }
0xc6: {  	[dreg:$0x0] =	wrdreg $0xFFFFFFFF;
	(pc) =	sbr.abs _section_cstart, $3  }
0xc7: {  	[dreg:$0x1] =	wrdreg $0xFFFFFFFF  }
0xc8: {  	_ =	task.clear_ibuf [dreg:s8], $0x2FFFF;
	_ =	strace $0x9FFFFFFF  }
0xc9: {  	(tm) =	ssettm $0x7FFFFFFF  }
tec
execute0_lowered:
.L_overlay_start_1:
0x0: {  	(tag) =	ssettag $0x1  }
0x1: {  	s0 =	rddreg [dreg:$0x0]  }
0x2: {  	s6 =	rddreg [dreg:$0x1]  }
0x3: {  	s7 =	rddreg [dreg:$0x2]  }
0x4: {  	s2 =	srdreg.scid;
	s1 =	stileid.u32;
	s10 =	simm.s32 $0x20000  }
0x5: {  	s11 =	simm.s32 $0x40000;
	s12 =	simm.s32 $0x4000;
	s13 =	simm.s32 $0x8000  }
0x6: {  	s14 =	simm.s32 $0x1;
	s15 =	simm.s32 $0xC000;
	s16 =	simm.s32 $0x2  }
0x7: {  	s17 =	simm.s32 $0xC200;
	s18 =	simm.s32 $0x0;
	s3 =	sand.u32 $0x1, s2  }
0x8: {  	s2 =	simm.s32 $0x0;
	s4 =	sshll.u32 s1, $0xA;
	s5 =	sshll.u32 s3, $0x9  }
0x9: {  	[smem:$0x7FF] =	sst s2;
	s3 =	ssub.s32 $0x2, s3;
	s4 =	sor.u32 s5, s4  }
0xa: {  	_ =	strace $0x8000004D;
	s31 =	sshrl.u32 s3, $0x1;
	s0 =	sadd.s32 s4, s0  }
0xb: {  	s8 =	ssub.s32 s3, s31;
	s9 =	sshrl.u32 s4, $0x3;
	s3 =	sadd.s32 $0x2000, s0  }
0xc: {  	s4 =	sadd.s32 $0x12000, s0;
	s5 =	sadd.s32 $0x16000, s0;
	s6 =	sadd.s32 s6, s9  }
0xd: {  	s7 =	sadd.s32 s7, s9;
	s8 =	smax.u32 s8, $0x1;
	s9 =	simm.s32 $0x1000  }
.LBB2_1:
0xe: {  	[tilespmem:s2], [sflag:$0x1] =	stream.strided.gather [hbm4b:s3+s9], $0x4000, s10, s9, $0x38;
	[tilespmem:$0xC400] =	vst v63  }
0xf: {  	_ = 	snop  }
0x10: {  	[tilespmem:s12], [sflag:$0x1] =	stream.strided.gather [hbm4b:s4+s9], $0x4000, s11, s9, $0x38;
	[tilespmem:$0xC400] =	vst v63  }
0x11: {  	_ = 	snop  }
0x12: {  	[tilespmem:s13], [sflag:$0x1] =	stream.strided.gather [hbm4b:s5+s9], $0x4000, s11, s9, $0x38;
	[tilespmem:$0xC400] =	vst v63  }
0x13: {  	_ =	swait.ge [sflag:s14], $0x4000  }
0x14: {  	[sflag:s14] =	ssyncset.done $0x0  }
0x15: {  	[sflag:s14] =	ssyncadd.s32 $0xFFFFC000  }
0x16: {  	_ =	swait.ge [sflag:s14], $0x4000  }
0x17: {  	[sflag:s14] =	ssyncset.done $0x0  }
0x18: {  	[sflag:s14] =	ssyncadd.s32 $0xFFFFC000  }
0x19: {  	_ =	swait.ge [sflag:s14], $0x4000  }
0x1a: {  	s0 =	sor.u32 s2, s2;
	s20 =	sand.u32 $0x70, s2;
	[sflag:s14] =	ssyncset.done $0x0  }
0x1b: {  	s21 =	sand.u32 $0xC00, s2;
	s19 =	sor.u32 $0x3380, s0;
	[sflag:s14] =	ssyncadd.s32 $0xFFFFC000  }
0x1c: {  	s20 =	sor.u32 s20, s21;
	v0 =	vld [tilespmem:s19+$0x4000]  }
0x1d: {  	s22 =	sand.u32 $0xFFFFFC00, s2;
	v1 =	vld [tilespmem:s20+$0x7300]  }
0x1e: {  	s26 =	sadd.s32 $0x0, s22;
	v2 =	vld [tilespmem:s20+$0x7280]  }
0x1f: {  	s21 =	sor.u32 $0x3180, s26;
	v3 =	vld [tilespmem:s20+$0x7200]  }
0x20: {  	v4 =	vld [tilespmem:s21+$0x4000]  }
0x21: {  	v5 =	vld [tilespmem:s20+$0x7100]  }
0x22: {  	v6 =	vld [tilespmem:s20+$0x7080]  }
0x23: {  	s22 =	sor.u32 $0x2380, s0;
	v7 =	vld [tilespmem:s20+$0x7000]  }
0x24: {  	v8 =	vld [tilespmem:s22+$0x4000]  }
0x25: {  	v9 =	vld [tilespmem:s20+$0x6300]  }
0x26: {  	v10 =	vld [tilespmem:s20+$0x6280]  }
0x27: {  	s23 =	sor.u32 $0x2180, s26;
	v11 =	vld [tilespmem:s20+$0x6200]  }
0x28: {  	v12 =	vld [tilespmem:s23+$0x4000]  }
0x29: {  	v13 =	vld [tilespmem:s20+$0x6100]  }
0x2a: {  	v14 =	vld [tilespmem:s20+$0x6080]  }
0x2b: {  	s24 =	sor.u32 $0x1380, s0;
	v15 =	vld [tilespmem:s20+$0x6000]  }
0x2c: {  	v16 =	vld [tilespmem:s24+$0x4000]  }
0x2d: {  	v17 =	vld [tilespmem:s20+$0x5300]  }
0x2e: {  	v18 =	vld [tilespmem:s20+$0x5280]  }
0x2f: {  	s25 =	sor.u32 $0x1180, s26;
	v19 =	vld [tilespmem:s20+$0x5200]  }
0x30: {  	v20 =	vld [tilespmem:s25+$0x4000]  }
0x31: {  	v21 =	vld [tilespmem:s20+$0x5100]  }
0x32: {  	v22 =	vld [tilespmem:s20+$0x5080]  }
0x33: {  	s0 =	sor.u32 $0x380, s0;
	v23 =	vld [tilespmem:s20+$0x5000]  }
0x34: {  	v24 =	vld [tilespmem:s0+$0x4000]  }
0x35: {  	v25 =	vld [tilespmem:s20+$0x4300]  }
0x36: {  	v26 =	vld [tilespmem:s20+$0x4280]  }
0x37: {  	s26 =	sor.u32 $0x180, s26;
	v27 =	vld [tilespmem:s20+$0x4200]  }
0x38: {  	v28 =	vld [tilespmem:s26+$0x4000]  }
0x39: {  	v29 =	vld [tilespmem:s20+$0x4100]  }
0x3a: {  	v30 =	vld [tilespmem:s20+$0x4080]  }
0x3b: {  	v31 =	vld [tilespmem:s20+$0x4000]  }
0x3c: {  	v32 =	vld [tilespmem:s20+$0x0]  }
0x3d: {  	v33 =	vld [tilespmem:s20+$0x8000]  }
0x3e: {  	v34 =	vld [tilespmem:s20+$0x80]  }
0x3f: {  	v35 =	vld [tilespmem:s20+$0x8080]  }
0x40: {  	v36 =	vld [tilespmem:s20+$0x100]  }
0x41: {  	v37 =	vld [tilespmem:s20+$0x8100];
	v31 =	vmul.f32 v31, v32  }
0x42: {  	v57 =	vld [tilespmem:s26+$0x0];
	v32 =	vmul.f32 v33, v32  }
0x43: {  	v38 =	vld [tilespmem:s26+$0x8000];
	v30 =	vmul.f32 v30, v34;
	v31 =	vadd.f32 $0.0e+00, v31  }
0x44: {  	v58 =	vld [tilespmem:s20+$0x200];
	v34 =	vmul.f32 v35, v34;
	v32 =	vadd.f32 $0.0e+00, v32  }
0x45: {  	v29 =	vmul.f32 v29, v36;
	v30 =	vadd.f32 v30, v31;
	v31 =	vld [tilespmem:s20+$0x8200]  }
0x46: {  	v60 =	vld [tilespmem:s20+$0x280];
	v59 =	vmul.f32 v37, v36;
	v32 =	vadd.f32 v34, v32  }
0x47: {  	v28 =	vmul.f32 v28, v57;
	v29 =	vadd.f32 v29, v30;
	v30 =	vld [tilespmem:s20+$0x8280]  }
0x48: {  	v61 =	vld [tilespmem:s20+$0x300];
	v33 =	vmul.f32 v38, v57;
	v32 =	vadd.f32 v59, v32  }
0x49: {  	v27 =	vmul.f32 v27, v58;
	v28 =	vadd.f32 v28, v29;
	v29 =	vld [tilespmem:s20+$0x8300]  }
0x4a: {  	v62 =	vld [tilespmem:s0+$0x0];
	v32 =	vadd.f32 v33, v32;
	v31 =	vmul.f32 v31, v58  }
0x4b: {  	v26 =	vmul.f32 v26, v60;
	v27 =	vadd.f32 v27, v28;
	v28 =	vld [tilespmem:s0+$0x8000]  }
0x4c: {  	v63 =	vld [tilespmem:s20+$0x1000];
	v31 =	vadd.f32 v31, v32;
	v30 =	vmul.f32 v30, v60  }
0x4d: {  	v25 =	vmul.f32 v25, v61;
	v26 =	vadd.f32 v26, v27;
	v27 =	vld [tilespmem:s20+$0x9000]  }
0x4e: {  	v30 =	vadd.f32 v30, v31;
	v29 =	vmul.f32 v29, v61;
	v31 =	vld [tilespmem:s20+$0x1080]  }
0x4f: {  	v24 =	vmul.f32 v24, v62;
	v25 =	vadd.f32 v25, v26;
	v26 =	vld [tilespmem:s20+$0x9080]  }
0x50: {  	v29 =	vadd.f32 v29, v30;
	v28 =	vmul.f32 v28, v62;
	v30 =	vld [tilespmem:s20+$0x1100]  }
0x51: {  	v23 =	vmul.f32 v23, v63;
	v24 =	vadd.f32 v24, v25;
	v25 =	vld [tilespmem:s20+$0x9100]  }
0x52: {  	v28 =	vadd.f32 v28, v29;
	v27 =	vmul.f32 v27, v63;
	v29 =	vld [tilespmem:s25+$0x0]  }
0x53: {  	v23 =	vadd.f32 v23, v24;
	v22 =	vmul.f32 v22, v31;
	v24 =	vld [tilespmem:s25+$0x8000]  }
0x54: {  	v27 =	vadd.f32 v27, v28;
	v26 =	vmul.f32 v26, v31;
	v28 =	vld [tilespmem:s20+$0x1200]  }
0x55: {  	v22 =	vadd.f32 v22, v23;
	v21 =	vmul.f32 v21, v30;
	v23 =	vld [tilespmem:s20+$0x9200]  }
0x56: {  	v26 =	vadd.f32 v26, v27;
	v25 =	vmul.f32 v25, v30;
	v27 =	vld [tilespmem:s20+$0x1280]  }
0x57: {  	v21 =	vadd.f32 v21, v22;
	v20 =	vmul.f32 v20, v29;
	v22 =	vld [tilespmem:s20+$0x9280]  }
0x58: {  	v25 =	vadd.f32 v25, v26;
	v24 =	vmul.f32 v24, v29;
	v26 =	vld [tilespmem:s20+$0x1300]  }
0x59: {  	v20 =	vadd.f32 v20, v21;
	v19 =	vmul.f32 v19, v28;
	v21 =	vld [tilespmem:s20+$0x9300]  }
0x5a: {  	v24 =	vadd.f32 v24, v25;
	v23 =	vmul.f32 v23, v28;
	v25 =	vld [tilespmem:s24+$0x0]  }
0x5b: {  	v19 =	vadd.f32 v19, v20;
	v18 =	vmul.f32 v18, v27;
	v20 =	vld [tilespmem:s24+$0x8000]  }
0x5c: {  	v23 =	vadd.f32 v23, v24;
	v22 =	vmul.f32 v22, v27;
	v24 =	vld [tilespmem:s20+$0x2000]  }
0x5d: {  	v18 =	vadd.f32 v18, v19;
	v17 =	vmul.f32 v17, v26;
	v19 =	vld [tilespmem:s20+$0xA000]  }
0x5e: {  	v22 =	vadd.f32 v22, v23;
	v21 =	vmul.f32 v21, v26;
	v23 =	vld [tilespmem:s20+$0x2080]  }
0x5f: {  	v17 =	vadd.f32 v17, v18;
	v16 =	vmul.f32 v16, v25;
	v18 =	vld [tilespmem:s20+$0xA080]  }
0x60: {  	v21 =	vadd.f32 v21, v22;
	v20 =	vmul.f32 v20, v25;
	v22 =	vld [tilespmem:s20+$0x2100]  }
0x61: {  	v16 =	vadd.f32 v16, v17;
	v15 =	vmul.f32 v15, v24;
	v17 =	vld [tilespmem:s20+$0xA100]  }
0x62: {  	v20 =	vadd.f32 v20, v21;
	v19 =	vmul.f32 v19, v24;
	v21 =	vld [tilespmem:s23+$0x0]  }
0x63: {  	v15 =	vadd.f32 v15, v16;
	v14 =	vmul.f32 v14, v23;
	v16 =	vld [tilespmem:s23+$0x8000]  }
0x64: {  	v19 =	vadd.f32 v19, v20;
	v18 =	vmul.f32 v18, v23;
	v20 =	vld [tilespmem:s20+$0x2200]  }
0x65: {  	v14 =	vadd.f32 v14, v15;
	v13 =	vmul.f32 v13, v22;
	v15 =	vld [tilespmem:s20+$0xA200]  }
0x66: {  	v18 =	vadd.f32 v18, v19;
	v17 =	vmul.f32 v17, v22;
	v19 =	vld [tilespmem:s20+$0x2280]  }
0x67: {  	v13 =	vadd.f32 v13, v14;
	v12 =	vmul.f32 v12, v21;
	v14 =	vld [tilespmem:s20+$0xA280]  }
0x68: {  	v17 =	vadd.f32 v17, v18;
	v16 =	vmul.f32 v16, v21;
	v18 =	vld [tilespmem:s20+$0x2300]  }
0x69: {  	v12 =	vadd.f32 v12, v13;
	v11 =	vmul.f32 v11, v20;
	v13 =	vld [tilespmem:s20+$0xA300]  }
0x6a: {  	v16 =	vadd.f32 v16, v17;
	v15 =	vmul.f32 v15, v20;
	v17 =	vld [tilespmem:s22+$0x0]  }
0x6b: {  	v11 =	vadd.f32 v11, v12;
	v10 =	vmul.f32 v10, v19;
	v12 =	vld [tilespmem:s22+$0x8000]  }
0x6c: {  	v15 =	vadd.f32 v15, v16;
	v14 =	vmul.f32 v14, v19;
	v16 =	vld [tilespmem:s20+$0x3000]  }
0x6d: {  	v10 =	vadd.f32 v10, v11;
	v9 =	vmul.f32 v9, v18;
	v11 =	vld [tilespmem:s20+$0xB000]  }
0x6e: {  	v14 =	vadd.f32 v14, v15;
	v13 =	vmul.f32 v13, v18;
	v15 =	vld [tilespmem:s20+$0x3080]  }
0x6f: {  	v9 =	vadd.f32 v9, v10;
	v8 =	vmul.f32 v8, v17;
	v10 =	vld [tilespmem:s20+$0xB080]  }
0x70: {  	v13 =	vadd.f32 v13, v14;
	v12 =	vmul.f32 v12, v17;
	v14 =	vld [tilespmem:s20+$0x3100]  }
0x71: {  	v8 =	vadd.f32 v8, v9;
	v7 =	vmul.f32 v7, v16;
	v9 =	vld [tilespmem:s20+$0xB100]  }
0x72: {  	v12 =	vadd.f32 v12, v13;
	v11 =	vmul.f32 v11, v16;
	v13 =	vld [tilespmem:s21+$0x0]  }
0x73: {  	v7 =	vadd.f32 v7, v8;
	v6 =	vmul.f32 v6, v15;
	v8 =	vld [tilespmem:s21+$0x8000]  }
0x74: {  	v11 =	vadd.f32 v11, v12;
	v10 =	vmul.f32 v10, v15;
	v12 =	vld [tilespmem:s20+$0x3200]  }
0x75: {  	v6 =	vadd.f32 v6, v7;
	v5 =	vmul.f32 v5, v14;
	v7 =	vld [tilespmem:s20+$0xB200]  }
0x76: {  	v10 =	vadd.f32 v10, v11;
	v9 =	vmul.f32 v9, v14;
	v11 =	vld [tilespmem:s20+$0x3280]  }
0x77: {  	v5 =	vadd.f32 v5, v6;
	v4 =	vmul.f32 v4, v13;
	v6 =	vld [tilespmem:s20+$0xB280]  }
0x78: {  	v9 =	vadd.f32 v9, v10;
	v8 =	vmul.f32 v8, v13;
	v10 =	vld [tilespmem:s20+$0x3300]  }
0x79: {  	v4 =	vadd.f32 v4, v5;
	v3 =	vmul.f32 v3, v12;
	v5 =	vld [tilespmem:s20+$0xB300]  }
0x7a: {  	v8 =	vadd.f32 v8, v9;
	v7 =	vmul.f32 v7, v12;
	v9 =	vld [tilespmem:s19+$0x0]  }
0x7b: {  	v3 =	vadd.f32 v3, v4;
	v2 =	vmul.f32 v2, v11;
	v4 =	vld [tilespmem:s19+$0x8000]  }
0x7c: {  	v7 =	vadd.f32 v7, v8;
	v6 =	vmul.f32 v6, v11  }
0x7d: {  	v2 =	vadd.f32 v2, v3;
	v1 =	vmul.f32 v1, v10  }
0x7e: {  	v3 =	vadd.f32 v6, v7;
	v5 =	vmul.f32 v5, v10  }
0x7f: {  	v1 =	vadd.f32 v1, v2;
	v0 =	vmul.f32 v0, v9  }
0x80: {  	v2 =	vadd.f32 v5, v3;
	v3 =	vmul.f32 v4, v9  }
0x81: {  	v0 =	vadd.f32 v0, v1  }
0x82: {  	s25 =	simm.s32 $0x80;
	s23 =	simm.s32 $0x10;
	v1 =	vadd.f32 v3, v2  }
0x83: {  	s20 =	sor.u32 s23, s25;
	[tilespmem:s15+$0x0] =	vst v0  }
0x84: {  	s24 =	sand.u32 $0xC00, s25;
	s0 =	sand.u32 $0x70, s23;
	s19 =	sor.u32 $0x3380, s20;
	[tilespmem:s17+$0x0] =	vst v1  }
0x85: {  	s22 =	sor.u32 s0, s24;
	v0 =	vld [tilespmem:s19+$0x4000]  }
0x86: {  	s26 =	sand.u32 $0xFFFFFC00, s25;
	v1 =	vld [tilespmem:s22+$0x7300]  }
0x87: {  	s0 =	sadd.s32 $0x10, s26;
	v2 =	vld [tilespmem:s22+$0x7280]  }
0x88: {  	s23 =	sor.u32 $0x3180, s0;
	v3 =	vld [tilespmem:s22+$0x7200]  }
0x89: {  	v4 =	vld [tilespmem:s23+$0x4000]  }
0x8a: {  	v5 =	vld [tilespmem:s22+$0x7100]  }
0x8b: {  	v6 =	vld [tilespmem:s22+$0x7080]  }
0x8c: {  	s24 =	sor.u32 $0x2380, s20;
	v7 =	vld [tilespmem:s22+$0x7000]  }
0x8d: {  	v8 =	vld [tilespmem:s24+$0x4000]  }
0x8e: {  	v9 =	vld [tilespmem:s22+$0x6300]  }
0x8f: {  	v10 =	vld [tilespmem:s22+$0x6280]  }
0x90: {  	s28 =	sor.u32 $0x2180, s0;
	v11 =	vld [tilespmem:s22+$0x6200]  }
0x91: {  	v12 =	vld [tilespmem:s28+$0x4000]  }
0x92: {  	v13 =	vld [tilespmem:s22+$0x6100]  }
0x93: {  	v14 =	vld [tilespmem:s22+$0x6080]  }
0x94: {  	s29 =	sor.u32 $0x1380, s20;
	v15 =	vld [tilespmem:s22+$0x6000]  }
0x95: {  	v16 =	vld [tilespmem:s29+$0x4000]  }
0x96: {  	v17 =	vld [tilespmem:s22+$0x5300]  }
0x97: {  	v18 =	vld [tilespmem:s22+$0x5280]  }
0x98: {  	s30 =	sor.u32 $0x1180, s0;
	v19 =	vld [tilespmem:s22+$0x5200]  }
0x99: {  	v20 =	vld [tilespmem:s30+$0x4000]  }
0x9a: {  	v21 =	vld [tilespmem:s22+$0x5100]  }
0x9b: {  	v22 =	vld [tilespmem:s22+$0x5080]  }
0x9c: {  	s31 =	sor.u32 $0x380, s20;
	v23 =	vld [tilespmem:s22+$0x5000]  }
0x9d: {  	v24 =	vld [tilespmem:s31+$0x4000]  }
0x9e: {  	v25 =	vld [tilespmem:s22+$0x4300]  }
0x9f: {  	v26 =	vld [tilespmem:s22+$0x4280]  }
0xa0: {  	s0 =	sor.u32 $0x180, s0;
	v27 =	vld [tilespmem:s22+$0x4200]  }
0xa1: {  	v28 =	vld [tilespmem:s0+$0x4000]  }
0xa2: {  	v29 =	vld [tilespmem:s22+$0x4100]  }
0xa3: {  	v30 =	vld [tilespmem:s22+$0x4080]  }
0xa4: {  	s26 =	simm.s32 $0x20;
	s21 =	simm.s32 $0xC000;
	s20 =	simm.s32 $0xC200;
	v31 =	vld [tilespmem:s22+$0x4000]  }
.LBB2_2:
0xa5: {  	p0 =	sne.s32 s26, $0x1F0;
	v32 =	vld [tilespmem:s22+$0x0]  }
0xa6: {  	v33 =	vld [tilespmem:s22+$0x8000]  }
0xa7: {  	v34 =	vld [tilespmem:s22+$0x80]  }
0xa8: {  	v35 =	vld [tilespmem:s22+$0x8080]  }
0xa9: {  	v36 =	vld [tilespmem:s22+$0x100]  }
0xaa: {  	v31 =	vmul.f32 v31, v32;
	v37 =	vld [tilespmem:s22+$0x8100]  }
0xab: {  	v32 =	vmul.f32 v33, v32;
	v33 =	vld [tilespmem:s0+$0x0]  }
0xac: {  	v31 =	vadd.f32 $0.0e+00, v31;
	v30 =	vmul.f32 v30, v34;
	v38 =	vld [tilespmem:s0+$0x8000]  }
0xad: {  	v32 =	vadd.f32 $0.0e+00, v32;
	v34 =	vmul.f32 v35, v34;
	v35 =	vld [tilespmem:s22+$0x200]  }
0xae: {  	v30 =	vadd.f32 v30, v31;
	v29 =	vmul.f32 v29, v36;
	v31 =	vld [tilespmem:s22+$0x8200]  }
0xaf: {  	v32 =	vadd.f32 v34, v32;
	v34 =	vmul.f32 v37, v36;
	v36 =	vld [tilespmem:s22+$0x280]  }
0xb0: {  	v29 =	vadd.f32 v29, v30;
	v28 =	vmul.f32 v28, v33;
	v30 =	vld [tilespmem:s22+$0x8280]  }
0xb1: {  	v32 =	vadd.f32 v34, v32;
	v33 =	vmul.f32 v38, v33;
	v34 =	vld [tilespmem:s22+$0x300]  }
0xb2: {  	v28 =	vadd.f32 v28, v29;
	v27 =	vmul.f32 v27, v35;
	v29 =	vld [tilespmem:s22+$0x8300]  }
0xb3: {  	v32 =	vadd.f32 v33, v32;
	v31 =	vmul.f32 v31, v35;
	v33 =	vld [tilespmem:s31+$0x0]  }
0xb4: {  	v27 =	vadd.f32 v27, v28;
	v26 =	vmul.f32 v26, v36;
	v28 =	vld [tilespmem:s31+$0x8000]  }
0xb5: {  	v31 =	vadd.f32 v31, v32;
	v30 =	vmul.f32 v30, v36;
	v32 =	vld [tilespmem:s22+$0x1000]  }
0xb6: {  	v26 =	vadd.f32 v26, v27;
	v25 =	vmul.f32 v25, v34;
	v27 =	vld [tilespmem:s22+$0x9000]  }
0xb7: {  	v30 =	vadd.f32 v30, v31;
	v29 =	vmul.f32 v29, v34;
	v31 =	vld [tilespmem:s22+$0x1080]  }
0xb8: {  	v25 =	vadd.f32 v25, v26;
	v24 =	vmul.f32 v24, v33;
	v26 =	vld [tilespmem:s22+$0x9080]  }
0xb9: {  	v29 =	vadd.f32 v29, v30;
	v28 =	vmul.f32 v28, v33;
	v30 =	vld [tilespmem:s22+$0x1100]  }
0xba: {  	v24 =	vadd.f32 v24, v25;
	v23 =	vmul.f32 v23, v32;
	v25 =	vld [tilespmem:s22+$0x9100]  }
0xbb: {  	v28 =	vadd.f32 v28, v29;
	v27 =	vmul.f32 v27, v32;
	v29 =	vld [tilespmem:s30+$0x0]  }
0xbc: {  	v23 =	vadd.f32 v23, v24;
	v22 =	vmul.f32 v22, v31;
	v24 =	vld [tilespmem:s30+$0x8000]  }
0xbd: {  	v27 =	vadd.f32 v27, v28;
	v26 =	vmul.f32 v26, v31;
	v28 =	vld [tilespmem:s22+$0x1200]  }
0xbe: {  	v22 =	vadd.f32 v22, v23;
	v21 =	vmul.f32 v21, v30;
	v23 =	vld [tilespmem:s22+$0x9200]  }
0xbf: {  	v26 =	vadd.f32 v26, v27;
	v25 =	vmul.f32 v25, v30;
	v27 =	vld [tilespmem:s22+$0x1280]  }
0xc0: {  	v21 =	vadd.f32 v21, v22;
	v20 =	vmul.f32 v20, v29;
	v22 =	vld [tilespmem:s22+$0x9280]  }
0xc1: {  	v25 =	vadd.f32 v25, v26;
	v24 =	vmul.f32 v24, v29;
	v26 =	vld [tilespmem:s22+$0x1300]  }
0xc2: {  	v20 =	vadd.f32 v20, v21;
	v19 =	vmul.f32 v19, v28;
	v21 =	vld [tilespmem:s22+$0x9300]  }
0xc3: {  	v24 =	vadd.f32 v24, v25;
	v23 =	vmul.f32 v23, v28;
	v25 =	vld [tilespmem:s29+$0x0]  }
0xc4: {  	v19 =	vadd.f32 v19, v20;
	v18 =	vmul.f32 v18, v27;
	v20 =	vld [tilespmem:s29+$0x8000]  }
0xc5: {  	v23 =	vadd.f32 v23, v24;
	v22 =	vmul.f32 v22, v27;
	v24 =	vld [tilespmem:s22+$0x2000]  }
0xc6: {  	v18 =	vadd.f32 v18, v19;
	v17 =	vmul.f32 v17, v26;
	v19 =	vld [tilespmem:s22+$0xA000]  }
0xc7: {  	v22 =	vadd.f32 v22, v23;
	v21 =	vmul.f32 v21, v26;
	v23 =	vld [tilespmem:s22+$0x2080]  }
0xc8: {  	v17 =	vadd.f32 v17, v18;
	v16 =	vmul.f32 v16, v25;
	v18 =	vld [tilespmem:s22+$0xA080]  }
0xc9: {  	v21 =	vadd.f32 v21, v22;
	v20 =	vmul.f32 v20, v25;
	v22 =	vld [tilespmem:s22+$0x2100]  }
0xca: {  	v16 =	vadd.f32 v16, v17;
	v15 =	vmul.f32 v15, v24;
	v17 =	vld [tilespmem:s22+$0xA100]  }
0xcb: {  	v20 =	vadd.f32 v20, v21;
	v19 =	vmul.f32 v19, v24;
	v21 =	vld [tilespmem:s28+$0x0]  }
0xcc: {  	v15 =	vadd.f32 v15, v16;
	v14 =	vmul.f32 v14, v23;
	v16 =	vld [tilespmem:s28+$0x8000]  }
0xcd: {  	v19 =	vadd.f32 v19, v20;
	v18 =	vmul.f32 v18, v23;
	v20 =	vld [tilespmem:s22+$0x2200]  }
0xce: {  	v14 =	vadd.f32 v14, v15;
	v13 =	vmul.f32 v13, v22;
	v15 =	vld [tilespmem:s22+$0xA200]  }
0xcf: {  	v18 =	vadd.f32 v18, v19;
	v17 =	vmul.f32 v17, v22;
	v19 =	vld [tilespmem:s22+$0x2280]  }
0xd0: {  	v13 =	vadd.f32 v13, v14;
	v12 =	vmul.f32 v12, v21;
	v14 =	vld [tilespmem:s22+$0xA280]  }
0xd1: {  	v17 =	vadd.f32 v17, v18;
	v16 =	vmul.f32 v16, v21;
	v18 =	vld [tilespmem:s22+$0x2300]  }
0xd2: {  	v12 =	vadd.f32 v12, v13;
	v11 =	vmul.f32 v11, v20;
	v13 =	vld [tilespmem:s22+$0xA300]  }
0xd3: {  	v16 =	vadd.f32 v16, v17;
	v15 =	vmul.f32 v15, v20;
	v17 =	vld [tilespmem:s24+$0x0]  }
0xd4: {  	v11 =	vadd.f32 v11, v12;
	v10 =	vmul.f32 v10, v19;
	v12 =	vld [tilespmem:s24+$0x8000]  }
0xd5: {  	v15 =	vadd.f32 v15, v16;
	v14 =	vmul.f32 v14, v19;
	v16 =	vld [tilespmem:s22+$0x3000]  }
0xd6: {  	v10 =	vadd.f32 v10, v11;
	v9 =	vmul.f32 v9, v18;
	v11 =	vld [tilespmem:s22+$0xB000]  }
0xd7: {  	v14 =	vadd.f32 v14, v15;
	v13 =	vmul.f32 v13, v18;
	v15 =	vld [tilespmem:s22+$0x3080]  }
0xd8: {  	v9 =	vadd.f32 v9, v10;
	v8 =	vmul.f32 v8, v17;
	v10 =	vld [tilespmem:s22+$0xB080]  }
0xd9: {  	v13 =	vadd.f32 v13, v14;
	v12 =	vmul.f32 v12, v17;
	v14 =	vld [tilespmem:s22+$0x3100]  }
0xda: {  	v8 =	vadd.f32 v8, v9;
	v7 =	vmul.f32 v7, v16;
	v9 =	vld [tilespmem:s22+$0xB100]  }
0xdb: {  	v12 =	vadd.f32 v12, v13;
	v11 =	vmul.f32 v11, v16;
	v13 =	vld [tilespmem:s23+$0x0]  }
0xdc: {  	v7 =	vadd.f32 v7, v8;
	v6 =	vmul.f32 v6, v15;
	v8 =	vld [tilespmem:s23+$0x8000]  }
0xdd: {  	v11 =	vadd.f32 v11, v12;
	v10 =	vmul.f32 v10, v15;
	v12 =	vld [tilespmem:s22+$0x3200]  }
0xde: {  	v6 =	vadd.f32 v6, v7;
	v5 =	vmul.f32 v5, v14;
	v7 =	vld [tilespmem:s22+$0xB200]  }
0xdf: {  	v10 =	vadd.f32 v10, v11;
	v9 =	vmul.f32 v9, v14;
	v11 =	vld [tilespmem:s22+$0x3280]  }
0xe0: {  	v5 =	vadd.f32 v5, v6;
	v4 =	vmul.f32 v4, v13;
	v6 =	vld [tilespmem:s22+$0xB280]  }
0xe1: {  	v9 =	vadd.f32 v9, v10;
	v8 =	vmul.f32 v8, v13;
	v10 =	vld [tilespmem:s22+$0x3300]  }
0xe2: {  	v4 =	vadd.f32 v4, v5;
	v3 =	vmul.f32 v3, v12;
	v5 =	vld [tilespmem:s22+$0xB300]  }
0xe3: {  	v8 =	vadd.f32 v8, v9;
	v7 =	vmul.f32 v7, v12;
	v9 =	vld [tilespmem:s19+$0x0]  }
0xe4: {  	v3 =	vadd.f32 v3, v4;
	v2 =	vmul.f32 v2, v11;
	v4 =	vld [tilespmem:s19+$0x8000]  }
0xe5: {  	v7 =	vadd.f32 v7, v8;
	v6 =	vmul.f32 v6, v11  }
0xe6: {  	v2 =	vadd.f32 v2, v3;
	v1 =	vmul.f32 v1, v10  }
0xe7: {  	v3 =	vadd.f32 v6, v7;
	v5 =	vmul.f32 v5, v10  }
0xe8: {  	v1 =	vadd.f32 v1, v2;
	v0 =	vmul.f32 v0, v9  }
0xe9: {  	v2 =	vadd.f32 v5, v3;
	v3 =	vmul.f32 v4, v9  }
0xea: {  	v0 =	vadd.f32 v0, v1  }
0xeb: {  	s25 =	sadd.s32 $0x80, s25;
	s21 =	sadd.s32 $0x10, s21;
	v1 =	vadd.f32 v3, v2  }
0xec: {  	s20 =	sadd.s32 $0x10, s20;
	s31 =	sor.u32 s26, s25;
	[tilespmem:s21+$0x0] =	vst v0  }
0xed: {  	s0 =	sand.u32 $0x70, s26;
	s22 =	sand.u32 $0xC00, s25;
	s19 =	sor.u32 $0x3380, s31;
	[tilespmem:s20+$0x0] =	vst v1  }
0xee: {  	s22 =	sor.u32 s0, s22;
	v0 =	vld [tilespmem:s19+$0x4000]  }
0xef: {  	s0 =	sand.u32 $0xFFFFFC00, s25;
	v1 =	vld [tilespmem:s22+$0x7300]  }
0xf0: {  	s0 =	sadd.s32 s0, s26;
	v2 =	vld [tilespmem:s22+$0x7280]  }
0xf1: {  	s23 =	sor.u32 $0x3180, s0;
	v3 =	vld [tilespmem:s22+$0x7200]  }
0xf2: {  	v4 =	vld [tilespmem:s23+$0x4000]  }
0xf3: {  	v5 =	vld [tilespmem:s22+$0x7100]  }
0xf4: {  	v6 =	vld [tilespmem:s22+$0x7080]  }
0xf5: {  	s24 =	sor.u32 $0x2380, s31;
	v7 =	vld [tilespmem:s22+$0x7000]  }
0xf6: {  	v8 =	vld [tilespmem:s24+$0x4000]  }
0xf7: {  	v9 =	vld [tilespmem:s22+$0x6300]  }
0xf8: {  	v10 =	vld [tilespmem:s22+$0x6280]  }
0xf9: {  	s28 =	sor.u32 $0x2180, s0;
	v11 =	vld [tilespmem:s22+$0x6200]  }
0xfa: {  	v12 =	vld [tilespmem:s28+$0x4000]  }
0xfb: {  	v13 =	vld [tilespmem:s22+$0x6100]  }
0xfc: {  	v14 =	vld [tilespmem:s22+$0x6080]  }
0xfd: {  	s29 =	sor.u32 $0x1380, s31;
	v15 =	vld [tilespmem:s22+$0x6000]  }
0xfe: {  	v16 =	vld [tilespmem:s29+$0x4000]  }
0xff: {  	v17 =	vld [tilespmem:s22+$0x5300]  }
0x100: {  	v18 =	vld [tilespmem:s22+$0x5280]  }
0x101: {  	s30 =	sor.u32 $0x1180, s0;
	v19 =	vld [tilespmem:s22+$0x5200]  }
0x102: {  	v20 =	vld [tilespmem:s30+$0x4000]  }
0x103: {  	v21 =	vld [tilespmem:s22+$0x5100]  }
0x104: {  	v22 =	vld [tilespmem:s22+$0x5080]  }
0x105: {  	s31 =	sor.u32 $0x380, s31;
	v23 =	vld [tilespmem:s22+$0x5000]  }
0x106: {  	v24 =	vld [tilespmem:s31+$0x4000]  }
0x107: {  	v25 =	vld [tilespmem:s22+$0x4300]  }
0x108: {  	v26 =	vld [tilespmem:s22+$0x4280]  }
.Ltmp0:
0x109: {  	s0 =	sor.u32 $0x180, s0;
	v27 =	vld [tilespmem:s22+$0x4200];
	(pc) =	sbr.rel @p0 .LBB2_2-.Ltmp0, $4  }
0x10a: {  	v28 =	vld [tilespmem:s0+$0x4000]  }
0x10b: {  	v29 =	vld [tilespmem:s22+$0x4100]  }
0x10c: {  	v30 =	vld [tilespmem:s22+$0x4080]  }
0x10d: {  	s26 =	sadd.s32 $0x10, s26;
	v31 =	vld [tilespmem:s22+$0x4000]  }
0x10e: {  	v32 =	vld [tilespmem:s22+$0x0]  }
0x10f: {  	v33 =	vld [tilespmem:s22+$0x8000]  }
0x110: {  	v34 =	vld [tilespmem:s22+$0x80]  }
0x111: {  	v35 =	vld [tilespmem:s22+$0x8080]  }
0x112: {  	v36 =	vld [tilespmem:s22+$0x100]  }
0x113: {  	v37 =	vld [tilespmem:s22+$0x8100];
	v31 =	vmul.f32 v31, v32  }
0x114: {  	v62 =	vld [tilespmem:s0+$0x0];
	v32 =	vmul.f32 v33, v32  }
0x115: {  	v38 =	vld [tilespmem:s0+$0x8000];
	v30 =	vmul.f32 v30, v34;
	v31 =	vadd.f32 $0.0e+00, v31  }
0x116: {  	v63 =	vld [tilespmem:s22+$0x200];
	v34 =	vmul.f32 v35, v34;
	v32 =	vadd.f32 $0.0e+00, v32  }
0x117: {  	v40 =	vld [tilespmem:s22+$0x8200];
	v29 =	vmul.f32 v29, v36;
	v30 =	vadd.f32 v30, v31  }
0x118: {  	v42 =	vld [tilespmem:s22+$0x280];
	v41 =	vmul.f32 v37, v36;
	v32 =	vadd.f32 v34, v32  }
0x119: {  	v43 =	vld [tilespmem:s22+$0x8280];
	v28 =	vmul.f32 v28, v62;
	v29 =	vadd.f32 v29, v30  }
0x11a: {  	v44 =	vld [tilespmem:s22+$0x300];
	v33 =	vmul.f32 v38, v62;
	v32 =	vadd.f32 v41, v32  }
0x11b: {  	v45 =	vld [tilespmem:s22+$0x8300];
	v27 =	vmul.f32 v27, v63;
	v28 =	vadd.f32 v28, v29  }
0x11c: {  	v46 =	vld [tilespmem:s31+$0x0];
	v31 =	vmul.f32 v40, v63;
	v32 =	vadd.f32 v33, v32  }
0x11d: {  	v47 =	vld [tilespmem:s31+$0x8000];
	v26 =	vmul.f32 v26, v42;
	v27 =	vadd.f32 v27, v28  }
0x11e: {  	v48 =	vld [tilespmem:s22+$0x1000];
	v30 =	vmul.f32 v43, v42;
	v31 =	vadd.f32 v31, v32  }
0x11f: {  	v49 =	vld [tilespmem:s22+$0x9000];
	v25 =	vmul.f32 v25, v44;
	v26 =	vadd.f32 v26, v27  }
0x120: {  	v50 =	vld [tilespmem:s22+$0x1080];
	v29 =	vmul.f32 v45, v44;
	v30 =	vadd.f32 v30, v31  }
0x121: {  	v51 =	vld [tilespmem:s22+$0x9080];
	v24 =	vmul.f32 v24, v46;
	v25 =	vadd.f32 v25, v26  }
0x122: {  	v52 =	vld [tilespmem:s22+$0x1100];
	v28 =	vmul.f32 v47, v46;
	v29 =	vadd.f32 v29, v30  }
0x123: {  	v53 =	vld [tilespmem:s22+$0x9100];
	v23 =	vmul.f32 v23, v48;
	v24 =	vadd.f32 v24, v25  }
0x124: {  	v54 =	vld [tilespmem:s30+$0x0];
	v27 =	vmul.f32 v49, v48;
	v28 =	vadd.f32 v28, v29  }
0x125: {  	v55 =	vld [tilespmem:s30+$0x8000];
	v22 =	vmul.f32 v22, v50;
	v23 =	vadd.f32 v23, v24  }
0x126: {  	v56 =	vld [tilespmem:s22+$0x1200];
	v26 =	vmul.f32 v51, v50;
	v27 =	vadd.f32 v27, v28  }
0x127: {  	v57 =	vld [tilespmem:s22+$0x9200];
	v21 =	vmul.f32 v21, v52;
	v22 =	vadd.f32 v22, v23  }
0x128: {  	v58 =	vld [tilespmem:s22+$0x1280];
	v25 =	vmul.f32 v53, v52;
	v26 =	vadd.f32 v26, v27  }
0x129: {  	v59 =	vld [tilespmem:s22+$0x9280];
	v20 =	vmul.f32 v20, v54;
	v21 =	vadd.f32 v21, v22  }
0x12a: {  	v60 =	vld [tilespmem:s22+$0x1300];
	v24 =	vmul.f32 v55, v54;
	v25 =	vadd.f32 v25, v26  }
0x12b: {  	v61 =	vld [tilespmem:s22+$0x9300];
	v19 =	vmul.f32 v19, v56;
	v20 =	vadd.f32 v20, v21  }
0x12c: {  	v62 =	vld [tilespmem:s29+$0x0];
	v23 =	vmul.f32 v57, v56;
	v24 =	vadd.f32 v24, v25  }
0x12d: {  	v18 =	vmul.f32 v18, v58;
	v63 =	vld [tilespmem:s29+$0x8000];
	v19 =	vadd.f32 v19, v20  }
0x12e: {  	v28 =	vld [tilespmem:s22+$0x2000];
	v22 =	vmul.f32 v59, v58;
	v23 =	vadd.f32 v23, v24  }
0x12f: {  	v17 =	vmul.f32 v17, v60;
	v29 =	vld [tilespmem:s22+$0xA000];
	v18 =	vadd.f32 v18, v19  }
0x130: {  	v30 =	vld [tilespmem:s22+$0x2080];
	v21 =	vmul.f32 v61, v60;
	v22 =	vadd.f32 v22, v23  }
0x131: {  	v16 =	vmul.f32 v16, v62;
	v31 =	vld [tilespmem:s22+$0xA080];
	v17 =	vadd.f32 v17, v18  }
0x132: {  	v32 =	vld [tilespmem:s22+$0x2100];
	v20 =	vmul.f32 v63, v62;
	v21 =	vadd.f32 v21, v22  }
0x133: {  	v33 =	vld [tilespmem:s22+$0xA100];
	v15 =	vmul.f32 v15, v28;
	v16 =	vadd.f32 v16, v17  }
0x134: {  	v34 =	vld [tilespmem:s28+$0x0];
	v19 =	vmul.f32 v29, v28;
	v20 =	vadd.f32 v20, v21  }
0x135: {  	v35 =	vld [tilespmem:s28+$0x8000];
	v14 =	vmul.f32 v14, v30;
	v15 =	vadd.f32 v15, v16  }
0x136: {  	v36 =	vld [tilespmem:s22+$0x2200];
	v18 =	vmul.f32 v31, v30;
	v19 =	vadd.f32 v19, v20  }
0x137: {  	v37 =	vld [tilespmem:s22+$0xA200];
	v13 =	vmul.f32 v13, v32;
	v14 =	vadd.f32 v14, v15  }
0x138: {  	v38 =	vld [tilespmem:s22+$0x2280];
	v17 =	vmul.f32 v33, v32;
	v18 =	vadd.f32 v18, v19  }
0x139: {  	v39 =	vld [tilespmem:s22+$0xA280];
	v12 =	vmul.f32 v12, v34;
	v13 =	vadd.f32 v13, v14  }
0x13a: {  	v40 =	vld [tilespmem:s22+$0x2300];
	v16 =	vmul.f32 v35, v34;
	v17 =	vadd.f32 v17, v18  }
0x13b: {  	v11 =	vmul.f32 v11, v36;
	v41 =	vld [tilespmem:s22+$0xA300];
	v12 =	vadd.f32 v12, v13  }
0x13c: {  	v42 =	vld [tilespmem:s24+$0x0];
	v15 =	vmul.f32 v37, v36;
	v16 =	vadd.f32 v16, v17  }
0x13d: {  	v10 =	vmul.f32 v10, v38;
	v43 =	vld [tilespmem:s24+$0x8000];
	v11 =	vadd.f32 v11, v12  }
0x13e: {  	v44 =	vld [tilespmem:s22+$0x3000];
	v14 =	vmul.f32 v39, v38;
	v15 =	vadd.f32 v15, v16  }
0x13f: {  	v45 =	vld [tilespmem:s22+$0xB000];
	v9 =	vmul.f32 v9, v40;
	v10 =	vadd.f32 v10, v11  }
0x140: {  	v46 =	vld [tilespmem:s22+$0x3080];
	v13 =	vmul.f32 v41, v40;
	v14 =	vadd.f32 v14, v15  }
0x141: {  	v47 =	vld [tilespmem:s22+$0xB080];
	v8 =	vmul.f32 v8, v42;
	v9 =	vadd.f32 v9, v10  }
0x142: {  	v48 =	vld [tilespmem:s22+$0x3100];
	v12 =	vmul.f32 v43, v42;
	v13 =	vadd.f32 v13, v14  }
0x143: {  	v49 =	vld [tilespmem:s22+$0xB100];
	v7 =	vmul.f32 v7, v44;
	v8 =	vadd.f32 v8, v9  }
0x144: {  	v50 =	vld [tilespmem:s23+$0x0];
	v11 =	vmul.f32 v45, v44;
	v12 =	vadd.f32 v12, v13  }
0x145: {  	v51 =	vld [tilespmem:s23+$0x8000];
	v6 =	vmul.f32 v6, v46;
	v7 =	vadd.f32 v7, v8  }
0x146: {  	v52 =	vld [tilespmem:s22+$0x3200];
	v10 =	vmul.f32 v47, v46;
	v11 =	vadd.f32 v11, v12  }
0x147: {  	v53 =	vld [tilespmem:s22+$0xB200];
	v5 =	vmul.f32 v5, v48;
	v6 =	vadd.f32 v6, v7  }
0x148: {  	v54 =	vld [tilespmem:s22+$0x3280];
	v9 =	vmul.f32 v49, v48;
	v10 =	vadd.f32 v10, v11  }
0x149: {  	v55 =	vld [tilespmem:s22+$0xB280];
	v4 =	vmul.f32 v4, v50;
	v5 =	vadd.f32 v5, v6  }
0x14a: {  	v56 =	vld [tilespmem:s22+$0x3300];
	v8 =	vmul.f32 v51, v50;
	v9 =	vadd.f32 v9, v10  }
0x14b: {  	v57 =	vld [tilespmem:s22+$0xB300];
	v3 =	vmul.f32 v3, v52;
	v4 =	vadd.f32 v4, v5  }
0x14c: {  	v58 =	vld [tilespmem:s19+$0x0];
	v7 =	vmul.f32 v53, v52;
	v8 =	vadd.f32 v8, v9  }
0x14d: {  	v59 =	vld [tilespmem:s19+$0x8000];
	v2 =	vmul.f32 v2, v54;
	v3 =	vadd.f32 v3, v4  }
0x14e: {  	v6 =	vmul.f32 v55, v54;
	v7 =	vadd.f32 v7, v8  }
0x14f: {  	v1 =	vmul.f32 v1, v56;
	v2 =	vadd.f32 v2, v3  }
0x150: {  	v5 =	vmul.f32 v57, v56;
	v60 =	vadd.f32 v6, v7  }
0x151: {  	v0 =	vmul.f32 v0, v58;
	v1 =	vadd.f32 v1, v2  }
0x152: {  	v62 =	vmul.f32 v59, v58;
	v61 =	vadd.f32 v5, v60  }
0x153: {  	v0 =	vadd.f32 v0, v1  }
0x154: {  	s30 =	sadd.s32 $0x10, s21;
	v63 =	vadd.f32 v62, v61  }
0x155: {  	s31 =	sadd.s32 $0x10, s20;
	[tilespmem:s30+$0x0] =	vst v0  }
0x156: {  	[tilespmem:s31+$0x0] =	vst v63  }
0x157: {  	[hbm4b:s6+s2] =	stream.linear.scatter [tilespmem:s15], [sflag:$0x2], $0x200, $0x38;
	[tilespmem:$0xC400] =	vst v63  }
0x158: {  	s18 =	sadd.s32 $0x1, s18;
	_ =	swait.ge [sflag:s16], $0x200  }
0x159: {  	p0 =	sne.s32 s18, s8;
	[sflag:s16] =	ssyncset.done $0x0  }
.Ltmp1:
0x15a: {  	[sflag:s16] =	ssyncadd.s32 $0xFFFFFE00;
	(pc) =	sbr.rel @p0 .LBB2_1-.Ltmp1, $4  }
0x15b: {  	[hbm4b:s7+s2] =	stream.linear.scatter [tilespmem:s17], [sflag:$0x2], $0x200, $0x38;
	[tilespmem:$0xC400] =	vst v63  }
0x15c: {  	_ =	swait.ge [sflag:s16], $0x200  }
0x15d: {  	[sflag:s16] =	ssyncset.done $0x0  }
0x15e: {  	[sflag:s16] =	ssyncadd.s32 $0xFFFFFE00  }
0x15f: {  	_ =	sfence.sel $0x180000  }
0x160: {  	[bflag:$0x0] =	sbarrier.arrive $0xFFFF  }
0x161: {  	_ =	strace $0x9000004D  }
0x162: {  	[bflag:$0x2] =	sbarrier.arrive $0xFFFF  }
0x163: {  	p0 =	sne.s32 s1, $0x0;
	s0 =	rddreg [dreg:$0x3]  }
0x164: {  	s0 =	sadd.s32 @!p0 $0x100000, s0  }
0x165: {  	[sflag:s0] =	ssyncadd.tile.s32 @!p0 $0x1;
	_ =	shalt  }
.Lfunc_end2:
_tile_overlayer_lowered:
.L_overlay_start_2:
0x166: {  	(tag) =	ssettag $0x2  }
0x167: {  	s0 =	rddreg [dreg:$0x0];
	s2 =	stileid.u32  }
0x168: {  	s1 =	rddreg [dreg:$0x1];
	p0 =	sne.s32 s2, $0x0  }
0x169: {  	s3 =	rddreg [dreg:$0x2];
	[bflag:$0x3] =	sbarrier.arrive $0xFFFF;
	s2 =	simm.s32 @!p0 $0x1C02  }
0x16a: {  	[timem:s3], [sflag:s2] =	dma.local @!p0 [hbm:s0], s1  }
0x16b: {  	s0 =	simm.s32 @!p0 $0x2  }
0x16c: {  	_ =	swait.ge @!p0 [sflag:s0], s1  }
0x16d: {  	s1 =	ssub.s32 @!p0 $0x0, s1;
	[sflag:s0] =	ssyncset.done @!p0 $0x0  }
0x16e: {  	[sflag:s0] =	ssyncadd.s32 @!p0 s1  }
0x16f: {  	[bflag:$0x3] =	sbarrier.arrive $0xFFFF  }
0x170: {  	_ =	shalt  }

</sc_bundles>
